<compile_context>
chip_gen: v7x
topology: tpu7x:2x2x1
jax: 0.10.2.dev20260603
libtpu: 0.0.44.dev20260713+nightly
codegen_flags: <defaults>
</compile_context>

<pallas_src>
import functools

import jax
import jax.numpy as jnp
import numpy as np
from jax import lax
from jax.experimental import pallas as pl
from jax.experimental.pallas import tpu as pltpu

_CH = 256
_BSEARCH_ITERS = 31


def _main_pass_body(tgt_ref, cls_ref, locp_ref, loct_ref, seg_ref, segt_ref,
                    seg4t_ref, keys_ref, stats_ref, acc_np, acc_sp, acc_loc,
                    *, A, CH, NC, G):
    g = pl.program_id(0)
    B = tgt_ref.shape[0]
    CHC = CH * NC

    @pl.when(g == 0)
    def _():
        acc_np[...] = jnp.zeros_like(acc_np)
        acc_sp[...] = jnp.zeros_like(acc_sp)
        acc_loc[...] = jnp.zeros_like(acc_loc)

    t = tgt_ref[...]
    aidx = g * CH + lax.broadcasted_iota(jnp.int32, (B, CH), 1)
    valid = aidx < A
    pos = (t > 0) & valid
    posf = pos.astype(jnp.float32)

    x = cls_ref[...].astype(jnp.float32)
    j = lax.broadcasted_iota(jnp.int32, (B, CHC), 1)
    valid21 = (g * CHC + j) < (A * NC)
    cmod = (j - (j // NC) * NC).astype(jnp.float32)
    tf = t.astype(jnp.float32)
    seg = seg_ref[...]
    dn = (((1,), (0,)), ((), ()))
    t21 = lax.dot_general(tf.astype(jnp.bfloat16), segt_ref[...], dn,
                          preferred_element_type=jnp.float32)

    e = jnp.where(valid21, jnp.exp(x), 0.0)
    px = jnp.where(valid21 & (cmod == t21), x, 0.0)
    s_e = lax.dot_general(e.astype(jnp.bfloat16), seg, dn,
                          preferred_element_type=jnp.float32)
    picked = lax.dot_general(px.astype(jnp.bfloat16), seg, dn,
                             preferred_element_type=jnp.float32)
    ce = jnp.maximum(jnp.log(s_e) - picked, 0.0)

    key = jnp.where(pos | (~valid), -1,
                    lax.bitcast_convert_type(ce, jnp.int32))
    keys_ref[...] = key

    lp = locp_ref[...].astype(jnp.float32)
    lt = loct_ref[...].astype(jnp.float32)
    d = lp - lt
    ad = jnp.abs(d)
    sl1 = jnp.where(ad < 1.0, 0.5 * d * d, ad - 0.5)
    pos4 = lax.dot_general(posf.astype(jnp.bfloat16), seg4t_ref[...], dn,
                           preferred_element_type=jnp.float32)
    acc_loc[...] += jnp.where(pos4 > 0, sl1, 0.0)

    acc_np[...] += posf
    acc_sp[...] += jnp.where(pos, ce, 0.0)

    @pl.when(g == G - 1)
    def _():
        npos = jnp.sum(acc_np[...], axis=1, keepdims=True)
        sumpos = jnp.sum(acc_sp[...], axis=1, keepdims=True)
        locpart = jnp.sum(acc_loc[...], axis=1, keepdims=True)
        z = jnp.zeros_like(npos)
        stats_ref[...] = jnp.concatenate(
            [npos, sumpos, locpart, z, z, z, z, z], axis=1)


def _select_body(keys_ref, stats_ref, out_ref, *, A):
    keys = keys_ref[...]
    stats = stats_ref[...]
    npos = stats[:, 0:1]
    sumpos = stats[:, 1:2]
    locsum = stats[:, 2:3]

    cneg = A - npos
    K = jnp.minimum(3.0 * npos, cneg).astype(jnp.int32)

    lo = jnp.zeros_like(K)
    hi = jnp.full_like(K, 0x7F800000)

    def body(_, carry):
        lo, hi = carry
        mid = lo + (hi - lo) // 2
        cnt = jnp.sum((keys >= mid).astype(jnp.int32), axis=1, keepdims=True)
        ge = cnt >= K
        return jnp.where(ge, mid, lo), jnp.where(ge, hi, mid)

    lo, hi = lax.fori_loop(0, _BSEARCH_ITERS, body, (lo, hi))

    vals = lax.bitcast_convert_type(keys, jnp.float32)
    gt = keys > lo
    ngt = jnp.sum(gt.astype(jnp.int32), axis=1, keepdims=True)
    ssel = jnp.sum(jnp.where(gt, vals, 0.0), axis=1, keepdims=True)
    tval = lax.bitcast_convert_type(lo, jnp.float32)
    S = ssel + (K - ngt).astype(jnp.float32) * tval
    S = jnp.where(K > 0, S, 0.0)

    total = (jnp.sum(S + sumpos + locsum)) / jnp.sum(npos)
    out_ref[...] = total.reshape(1, 1)


def _segment_matrix(CH, NC):
    m = np.zeros((CH * NC, CH), dtype=np.float32)
    m[np.arange(CH * NC), np.arange(CH * NC) // NC] = 1.0
    return jnp.asarray(m, dtype=jnp.bfloat16)


def _segment_matrix_t(CH, NC):
    m = np.zeros((CH, CH * NC), dtype=np.float32)
    m[np.arange(CH * NC) // NC, np.arange(CH * NC)] = 1.0
    return jnp.asarray(m, dtype=jnp.bfloat16)


def kernel(loc_preds, loc_targets, cls_preds, cls_targets):
    B, A, NC = cls_preds.shape
    CH = _CH
    G = (A + CH - 1) // CH

    lp = loc_preds.reshape(B, A * 4).astype(jnp.bfloat16)
    lt = loc_targets.reshape(B, A * 4).astype(jnp.bfloat16)
    cp = cls_preds.reshape(B, A * NC).astype(jnp.bfloat16)
    t32 = cls_targets.astype(jnp.int32)
    seg = _segment_matrix(CH, NC)
    segt = _segment_matrix_t(CH, NC)
    seg4t = _segment_matrix_t(CH, 4)

    keys, stats = pl.pallas_call(
        functools.partial(_main_pass_body, A=A, CH=CH, NC=NC, G=G),
        grid=(G,),
        in_specs=[
            pl.BlockSpec((B, CH), lambda g: (0, g)),
            pl.BlockSpec((B, CH * NC), lambda g: (0, g)),
            pl.BlockSpec((B, CH * 4), lambda g: (0, g)),
            pl.BlockSpec((B, CH * 4), lambda g: (0, g)),
            pl.BlockSpec((CH * NC, CH), lambda g: (0, 0)),
            pl.BlockSpec((CH, CH * NC), lambda g: (0, 0)),
            pl.BlockSpec((CH, CH * 4), lambda g: (0, 0)),
        ],
        out_specs=[
            pl.BlockSpec((B, CH), lambda g: (0, g)),
            pl.BlockSpec((B, 8), lambda g: (0, 0)),
        ],
        out_shape=[
            jax.ShapeDtypeStruct((B, G * CH), jnp.int32),
            jax.ShapeDtypeStruct((B, 8), jnp.float32),
        ],
        scratch_shapes=[
            pltpu.VMEM((B, CH), jnp.float32),
            pltpu.VMEM((B, CH), jnp.float32),
            pltpu.VMEM((B, CH * 4), jnp.float32),
        ],
    )(t32, cp, lp, lt, seg, segt, seg4t)

    out = pl.pallas_call(
        functools.partial(_select_body, A=A),
        out_shape=jax.ShapeDtypeStruct((1, 1), jnp.float32),
    )(keys, stats)
    return out[0, 0]

# --- scband reference (transcript-rebuilt; emitter-appended) ---
"""Pipeline reference for scband-ssdloss-41970420417098 (READ-ONLY COPY).

The authoritative reference and input builder live on the scoring server;
editing this copy changes nothing except your own understanding.
"""

import jax, jax.numpy as jnp
import numpy as np

NUM_CLASSES = 21
B, A = 64, 24564


def setup_inputs(seed: int = 0) -> dict:
    key = jax.random.key(seed)
    k1, k2, k3, k4 = jax.random.split(key, 4)
    loc_preds = jax.random.normal(k1, (B, A, 4), dtype=jnp.float32)
    loc_targets = jax.random.normal(k2, (B, A, 4), dtype=jnp.float32)
    cls_preds = jax.random.normal(k3, (B, A, NUM_CLASSES), dtype=jnp.float32)
    cls_targets = jax.random.randint(k4, (B, A), 0, 21).astype(jnp.int64)
    return {"loc_preds": loc_preds, "loc_targets": loc_targets,
            "cls_preds": cls_preds, "cls_targets": cls_targets}


def _forward(loc_preds, loc_targets, cls_preds, cls_targets):
    batch_size = cls_targets.shape[0]
    num_classes = cls_preds.shape[-1]
    pos = cls_targets > 0
    num_pos = jnp.sum(pos).astype(jnp.float32)

    # SmoothL1 (beta=1), summed over positive-anchor locations (masked, not gathered)
    mask = pos[:, :, None].astype(jnp.float32)
    diff = loc_preds - loc_targets
    ad = jnp.abs(diff)
    sl1 = jnp.where(ad < 1.0, 0.5 * diff * diff, ad - 0.5)
    loc_loss = jnp.sum(sl1 * mask)

    # per-anchor cross entropy
    logits = cls_preds.reshape(-1, num_classes)
    tgt = cls_targets.reshape(-1)
    lse = jax.nn.logsumexp(logits, axis=1)
    tgt_clamped = jnp.clip(tgt, 0, num_classes - 1)
    picked = jnp.take_along_axis(logits, tgt_clamped[:, None].astype(jnp.int32), axis=1)[:, 0]
    ce = (lse - picked).reshape(batch_size, -1)
    cls_loss = jnp.where(cls_targets < 0, 0.0, ce)

    # hard negative mining: neg = rank < 3 * num_pos_per_row
    masked_loss = cls_loss * (pos.astype(jnp.float32) - 1.0)
    idx = jnp.argsort(masked_loss, axis=1)
    rank = jnp.argsort(idx, axis=1)
    num_neg = 3 * jnp.sum(pos, axis=1)
    neg = rank < num_neg[:, None]

    cls_sum = jnp.sum(jnp.where(pos | neg, cls_loss, 0.0))
    return (loc_loss + cls_sum) / num_pos


def reference(loc_preds, loc_targets, cls_preds, cls_targets):
    return _forward(loc_preds, loc_targets, cls_preds, cls_targets)

if __name__ == "__main__":
    import jax
    _d = setup_inputs()
    print(jax.jit(kernel)(*tuple(_d.values())))

</pallas_src>

<mosaic_0001>
module attributes {stable_mosaic.version = 14 : i64} {
  func.func @_main_pass_body(%arg0: i32, %arg1: memref<64x256xi32, #tpu.memory_space<vmem>>, %arg2: memref<64x5376xbf16, #tpu.memory_space<vmem>>, %arg3: memref<64x1024xbf16, #tpu.memory_space<vmem>>, %arg4: memref<64x1024xbf16, #tpu.memory_space<vmem>>, %arg5: memref<5376x256xbf16, #tpu.memory_space<vmem>>, %arg6: memref<256x5376xbf16, #tpu.memory_space<vmem>>, %arg7: memref<256x1024xbf16, #tpu.memory_space<vmem>>, %arg8: memref<64x256xi32, #tpu.memory_space<vmem>>, %arg9: memref<64x8xf32, #tpu.memory_space<vmem>>, %arg10: memref<64x256xf32, #tpu.memory_space<vmem>>, %arg11: memref<64x256xf32, #tpu.memory_space<vmem>>, %arg12: memref<64x1024xf32, #tpu.memory_space<vmem>>) attributes {dimension_semantics = [#tpu.dimension_semantics<arbitrary>], iteration_bounds = array<i64: 96>, scalar_prefetch = 0 : i64, scratch_operands = 3 : i64, tpu.core_type = #tpu.core_type<tc>, window_params = [{transform_indices = @transform_0, window_bounds = array<i64: 64, 256>}, {transform_indices = @transform_1, window_bounds = array<i64: 64, 5376>}, {transform_indices = @transform_2, window_bounds = array<i64: 64, 1024>}, {transform_indices = @transform_3, window_bounds = array<i64: 64, 1024>}, {pipeline_mode = #tpu.pipeline_mode<synchronous>, transform_indices = @transform_4, window_bounds = array<i64: 5376, 256>}, {pipeline_mode = #tpu.pipeline_mode<synchronous>, transform_indices = @transform_5, window_bounds = array<i64: 256, 5376>}, {pipeline_mode = #tpu.pipeline_mode<synchronous>, transform_indices = @transform_6, window_bounds = array<i64: 256, 1024>}, {transform_indices = @transform_7, window_bounds = array<i64: 64, 256>}, {pipeline_mode = #tpu.pipeline_mode<synchronous>, transform_indices = @transform_8, window_bounds = array<i64: 64, 8>}]} {
    %eq3A = arith.constant 0 : i32
    %eq3A_0 = arith.cmpi eq, %arg0, %eq3A : i32
    %convert_element_type3A = arith.extui %eq3A_0 : i1 to i32
    %cond3A = arith.constant 0 : i32
    %cond3A_1 = arith.cmpi ne, %convert_element_type3A, %cond3A : i32
    scf.if %cond3A_1 {
      %broadcast_in_dim3A_145 = arith.constant 0.000000e+00 : f32
      %broadcast_in_dim3A_146 = vector.broadcast %broadcast_in_dim3A_145 : f32 to vector<64x256xf32>
      %swap3A_147 = arith.constant 0 : index
      %swap3A_148 = arith.constant 0 : index
      %swap3A_149 = vector.load %arg10[%swap3A_147, %swap3A_148] : memref<64x256xf32, #tpu.memory_space<vmem>>, vector<64x256xf32>
      tpu.vector_store %arg10[%swap3A_147, %swap3A_148], %broadcast_in_dim3A_146 {strides = array<i32>} : memref<64x256xf32, #tpu.memory_space<vmem>>, vector<64x256xf32>,
      %broadcast_in_dim3A_150 = arith.constant 0.000000e+00 : f32
      %broadcast_in_dim3A_151 = vector.broadcast %broadcast_in_dim3A_150 : f32 to vector<64x256xf32>
      %swap3A_152 = arith.constant 0 : index
      %swap3A_153 = arith.constant 0 : index
      %swap3A_154 = vector.load %arg11[%swap3A_152, %swap3A_153] : memref<64x256xf32, #tpu.memory_space<vmem>>, vector<64x256xf32>
      tpu.vector_store %arg11[%swap3A_152, %swap3A_153], %broadcast_in_dim3A_151 {strides = array<i32>} : memref<64x256xf32, #tpu.memory_space<vmem>>, vector<64x256xf32>,
      %broadcast_in_dim3A_155 = arith.constant 0.000000e+00 : f32
      %broadcast_in_dim3A_156 = vector.broadcast %broadcast_in_dim3A_155 : f32 to vector<64x1024xf32>
      %swap3A_157 = arith.constant 0 : index
      %swap3A_158 = arith.constant 0 : index
      %swap3A_159 = vector.load %arg12[%swap3A_157, %swap3A_158] : memref<64x1024xf32, #tpu.memory_space<vmem>>, vector<64x1024xf32>
      tpu.vector_store %arg12[%swap3A_157, %swap3A_158], %broadcast_in_dim3A_156 {strides = array<i32>} : memref<64x1024xf32, #tpu.memory_space<vmem>>, vector<64x1024xf32>,
    } else {
    }
    %get3A = arith.constant 0 : index
    %get3A_2 = arith.constant 0 : index
    %get3A_3 = vector.load %arg1[%get3A, %get3A_2] : memref<64x256xi32, #tpu.memory_space<vmem>>, vector<64x256xi32>
    %mul3A = arith.constant 256 : i32
    %mul3A_4 = arith.muli %arg0, %mul3A : i32
    %iota3A = tpu.iota {dimensions = array<i32: 1>} : vector<64x256xi32>
    %add3A = vector.broadcast %mul3A_4 : i32 to vector<64x256xi32>
    %add3A_5 = arith.addi %add3A, %iota3A : vector<64x256xi32>
    %lt3A = arith.constant 24564 : i32
    %lt3A_6 = vector.broadcast %lt3A : i32 to vector<64x256xi32>
    %lt3A_7 = arith.cmpi slt, %add3A_5, %lt3A_6 : vector<64x256xi32>
    %gt3A = arith.constant 0 : i32
    %gt3A_8 = vector.broadcast %gt3A : i32 to vector<64x256xi32>
    %gt3A_9 = arith.cmpi sgt, %get3A_3, %gt3A_8 : vector<64x256xi32>
    %and3A = arith.andi %gt3A_9, %lt3A_7 : vector<64x256xi1>
    %convert_element_type3A_10 = arith.extui %and3A : vector<64x256xi1> to vector<64x256xi32>
    %convert_element_type3A_11 = arith.sitofp %convert_element_type3A_10 : vector<64x256xi32> to vector<64x256xf32>
    %get3A_12 = arith.constant 0 : index
    %get3A_13 = arith.constant 0 : index
    %get3A_14 = vector.load %arg2[%get3A_12, %get3A_13] : memref<64x5376xbf16, #tpu.memory_space<vmem>>, vector<64x5376xbf16>
    %convert_element_type3A_15 = arith.extf %get3A_14 : vector<64x5376xbf16> to vector<64x5376xf32>
    %iota3A_16 = tpu.iota {dimensions = array<i32: 1>} : vector<64x5376xi32>
    %mul3A_17 = arith.constant 5376 : i32
    %mul3A_18 = arith.muli %arg0, %mul3A_17 : i32
    %add3A_19 = vector.broadcast %mul3A_18 : i32 to vector<64x5376xi32>
    %add3A_20 = arith.addi %add3A_19, %iota3A_16 : vector<64x5376xi32>
    %lt3A_21 = arith.constant 515844 : i32
    %lt3A_22 = vector.broadcast %lt3A_21 : i32 to vector<64x5376xi32>
    %lt3A_23 = arith.cmpi slt, %add3A_20, %lt3A_22 : vector<64x5376xi32>
    %jit3A = arith.constant 21 : i32
    %div3A = vector.broadcast %jit3A : i32 to vector<64x5376xi32>
    %div3A_24 = arith.divsi %iota3A_16, %div3A : vector<64x5376xi32>
    %sign3A = arith.constant 0 : i32
    %sign3A_25 = vector.broadcast %sign3A : i32 to vector<64x5376xi32>
    %sign3A_26 = arith.cmpi sgt, %iota3A_16, %sign3A_25 : vector<64x5376xi32>
    %sign3A_27 = arith.extui %sign3A_26 : vector<64x5376xi1> to vector<64x5376xi32>
    %sign3A_28 = arith.constant 0 : i32
    %sign3A_29 = vector.broadcast %sign3A_28 : i32 to vector<64x5376xi32>
    %sign3A_30 = arith.cmpi slt, %iota3A_16, %sign3A_29 : vector<64x5376xi32>
    %sign3A_31 = arith.extui %sign3A_30 : vector<64x5376xi1> to vector<64x5376xi32>
    %sign3A_32 = arith.subi %sign3A_27, %sign3A_31 : vector<64x5376xi32>
    %sign3A_33 = arith.constant 0 : i32
    %sign3A_34 = arith.cmpi sgt, %jit3A, %sign3A_33 : i32
    %sign3A_35 = arith.extui %sign3A_34 : i1 to i32
    %sign3A_36 = arith.constant 0 : i32
    %sign3A_37 = arith.cmpi slt, %jit3A, %sign3A_36 : i32
    %sign3A_38 = arith.extui %sign3A_37 : i1 to i32
    %sign3A_39 = arith.subi %sign3A_35, %sign3A_38 : i32
    %ne3A = vector.broadcast %sign3A_39 : i32 to vector<64x5376xi32>
    %ne3A_40 = arith.cmpi ne, %sign3A_32, %ne3A : vector<64x5376xi32>
    %rem3A = vector.broadcast %jit3A : i32 to vector<64x5376xi32>
    %rem3A_41 = arith.remsi %iota3A_16, %rem3A : vector<64x5376xi32>
    %ne3A_42 = arith.constant 0 : i32
    %ne3A_43 = vector.broadcast %ne3A_42 : i32 to vector<64x5376xi32>
    %ne3A_44 = arith.cmpi ne, %rem3A_41, %ne3A_43 : vector<64x5376xi32>
    %and3A_45 = arith.andi %ne3A_40, %ne3A_44 : vector<64x5376xi1>
    %sub3A = arith.constant 1 : i32
    %sub3A_46 = vector.broadcast %sub3A : i32 to vector<64x5376xi32>
    %sub3A_47 = arith.subi %div3A_24, %sub3A_46 : vector<64x5376xi32>
    %select_n3A = arith.select %and3A_45, %sub3A_47, %div3A_24 : vector<64x5376xi1>, vector<64x5376xi32>
    %mul3A_48 = arith.constant 21 : i32
    %mul3A_49 = vector.broadcast %mul3A_48 : i32 to vector<64x5376xi32>
    %mul3A_50 = arith.muli %select_n3A, %mul3A_49 : vector<64x5376xi32>
    %sub3A_51 = arith.subi %iota3A_16, %mul3A_50 : vector<64x5376xi32>
    %convert_element_type3A_52 = arith.sitofp %sub3A_51 : vector<64x5376xi32> to vector<64x5376xf32>
    %convert_element_type3A_53 = arith.sitofp %get3A_3 : vector<64x256xi32> to vector<64x256xf32>
    %get3A_54 = arith.constant 0 : index
    %get3A_55 = arith.constant 0 : index
    %get3A_56 = vector.load %arg5[%get3A_54, %get3A_55] : memref<5376x256xbf16, #tpu.memory_space<vmem>>, vector<5376x256xbf16>
    %convert_element_type3A_57 = arith.truncf %convert_element_type3A_53 : vector<64x256xf32> to vector<64x256xbf16>
    %get3A_58 = arith.constant 0 : index
    %get3A_59 = arith.constant 0 : index
    %get3A_60 = vector.load %arg6[%get3A_58, %get3A_59] : memref<256x5376xbf16, #tpu.memory_space<vmem>>, vector<256x5376xbf16>
    %dot_general3A = arith.constant dense<0.000000e+00> : vector<64x5376xf32>
    %dot_general3A_61 = tpu.matmul %convert_element_type3A_57, %get3A_60, %dot_general3A {dimension_numbers = #tpu.dot_dimension_numbers<[1], [0], [0], [1], [0, 0, 1, 1], [], []>, transpose_lhs_hint = false} : vector<64x256xbf16>, vector<256x5376xbf16>, vector<64x5376xf32> -> vector<64x5376xf32>
    %exp3A = math.exp %convert_element_type3A_15 : vector<64x5376xf32>
    %jit3A_62 = arith.constant 0.000000e+00 : f32
    %broadcast_in_dim3A = vector.broadcast %jit3A_62 : f32 to vector<64x5376xf32>
    %select_n3A_63 = arith.select %lt3A_23, %exp3A, %broadcast_in_dim3A : vector<64x5376xi1>, vector<64x5376xf32>
    %eq3A_64 = arith.cmpf oeq, %convert_element_type3A_52, %dot_general3A_61 : vector<64x5376xf32>
    %and3A_65 = arith.andi %lt3A_23, %eq3A_64 : vector<64x5376xi1>
    %jit3A_66 = arith.constant 0.000000e+00 : f32
    %broadcast_in_dim3A_67 = vector.broadcast %jit3A_66 : f32 to vector<64x5376xf32>
    %select_n3A_68 = arith.select %and3A_65, %convert_element_type3A_15, %broadcast_in_dim3A_67 : vector<64x5376xi1>, vector<64x5376xf32>
    %convert_element_type3A_69 = arith.truncf %select_n3A_63 : vector<64x5376xf32> to vector<64x5376xbf16>
    %dot_general3A_70 = arith.constant dense<0.000000e+00> : vector<64x256xf32>
    %dot_general3A_71 = tpu.matmul %convert_element_type3A_69, %get3A_56, %dot_general3A_70 {dimension_numbers = #tpu.dot_dimension_numbers<[1], [0], [0], [1], [0, 0, 1, 1], [], []>, transpose_lhs_hint = false} : vector<64x5376xbf16>, vector<5376x256xbf16>, vector<64x256xf32> -> vector<64x256xf32>
    %convert_element_type3A_72 = arith.truncf %select_n3A_68 : vector<64x5376xf32> to vector<64x5376xbf16>
    %dot_general3A_73 = arith.constant dense<0.000000e+00> : vector<64x256xf32>
    %dot_general3A_74 = tpu.matmul %convert_element_type3A_72, %get3A_56, %dot_general3A_73 {dimension_numbers = #tpu.dot_dimension_numbers<[1], [0], [0], [1], [0, 0, 1, 1], [], []>, transpose_lhs_hint = false} : vector<64x5376xbf16>, vector<5376x256xbf16>, vector<64x256xf32> -> vector<64x256xf32>
    %log3A = math.log %dot_general3A_71 : vector<64x256xf32>
    %sub3A_75 = arith.subf %log3A, %dot_general3A_74 : vector<64x256xf32>
    %max3A = arith.constant 0.000000e+00 : f32
    %max3A_76 = vector.broadcast %max3A : f32 to vector<64x256xf32>
    %max3A_77 = arith.maximumf %sub3A_75, %max3A_76 : vector<64x256xf32>
    %not3A = arith.constant dense<true> : vector<64x256xi1>
    %not3A_78 = arith.xori %lt3A_7, %not3A : vector<64x256xi1>
    %or3A = arith.ori %and3A, %not3A_78 : vector<64x256xi1>
    %bitcast_convert_type3A = tpu.bitcast %max3A_77 : vector<64x256xf32> -> vector<64x256xi32>
    %jit3A_79 = arith.constant -1 : i32
    %broadcast_in_dim3A_80 = vector.broadcast %jit3A_79 : i32 to vector<64x256xi32>
    %select_n3A_81 = arith.select %or3A, %broadcast_in_dim3A_80, %bitcast_convert_type3A : vector<64x256xi1>, vector<64x256xi32>
    %swap3A = arith.constant 0 : index
    %swap3A_82 = arith.constant 0 : index
    %swap3A_83 = vector.load %arg8[%swap3A, %swap3A_82] : memref<64x256xi32, #tpu.memory_space<vmem>>, vector<64x256xi32>
    tpu.vector_store %arg8[%swap3A, %swap3A_82], %select_n3A_81 {strides = array<i32>} : memref<64x256xi32, #tpu.memory_space<vmem>>, vector<64x256xi32>,
    %get3A_84 = arith.constant 0 : index
    %get3A_85 = arith.constant 0 : index
    %get3A_86 = vector.load %arg3[%get3A_84, %get3A_85] : memref<64x1024xbf16, #tpu.memory_space<vmem>>, vector<64x1024xbf16>
    %convert_element_type3A_87 = arith.extf %get3A_86 : vector<64x1024xbf16> to vector<64x1024xf32>
    %get3A_88 = arith.constant 0 : index
    %get3A_89 = arith.constant 0 : index
    %get3A_90 = vector.load %arg4[%get3A_88, %get3A_89] : memref<64x1024xbf16, #tpu.memory_space<vmem>>, vector<64x1024xbf16>
    %convert_element_type3A_91 = arith.extf %get3A_90 : vector<64x1024xbf16> to vector<64x1024xf32>
    %sub3A_92 = arith.subf %convert_element_type3A_87, %convert_element_type3A_91 : vector<64x1024xf32>
    %abs3A = math.absf %sub3A_92 : vector<64x1024xf32>
    %lt3A_93 = arith.constant 1.000000e+00 : f32
    %lt3A_94 = vector.broadcast %lt3A_93 : f32 to vector<64x1024xf32>
    %lt3A_95 = arith.cmpf olt, %abs3A, %lt3A_94 : vector<64x1024xf32>
    %mul3A_96 = arith.constant 5.000000e-01 : f32
    %mul3A_97 = vector.broadcast %mul3A_96 : f32 to vector<64x1024xf32>
    %mul3A_98 = arith.mulf %mul3A_97, %sub3A_92 : vector<64x1024xf32>
    %mul3A_99 = arith.mulf %mul3A_98, %sub3A_92 : vector<64x1024xf32>
    %sub3A_100 = arith.constant 5.000000e-01 : f32
    %sub3A_101 = vector.broadcast %sub3A_100 : f32 to vector<64x1024xf32>
    %sub3A_102 = arith.subf %abs3A, %sub3A_101 : vector<64x1024xf32>
    %select_n3A_103 = arith.select %lt3A_95, %mul3A_99, %sub3A_102 : vector<64x1024xi1>, vector<64x1024xf32>
    %convert_element_type3A_104 = arith.truncf %convert_element_type3A_11 : vector<64x256xf32> to vector<64x256xbf16>
    %get3A_105 = arith.constant 0 : index
    %get3A_106 = arith.constant 0 : index
    %get3A_107 = vector.load %arg7[%get3A_105, %get3A_106] : memref<256x1024xbf16, #tpu.memory_space<vmem>>, vector<256x1024xbf16>
    %dot_general3A_108 = arith.constant dense<0.000000e+00> : vector<64x1024xf32>
    %dot_general3A_109 = tpu.matmul %convert_element_type3A_104, %get3A_107, %dot_general3A_108 {dimension_numbers = #tpu.dot_dimension_numbers<[1], [0], [0], [1], [0, 0, 1, 1], [], []>, transpose_lhs_hint = false} : vector<64x256xbf16>, vector<256x1024xbf16>, vector<64x1024xf32> -> vector<64x1024xf32>
    %get3A_110 = arith.constant 0 : index
    %get3A_111 = arith.constant 0 : index
    %get3A_112 = vector.load %arg12[%get3A_110, %get3A_111] : memref<64x1024xf32, #tpu.memory_space<vmem>>, vector<64x1024xf32>
    %gt3A_113 = arith.constant 0.000000e+00 : f32
    %gt3A_114 = vector.broadcast %gt3A_113 : f32 to vector<64x1024xf32>
    %gt3A_115 = arith.cmpf ogt, %dot_general3A_109, %gt3A_114 : vector<64x1024xf32>
    %jit3A_116 = arith.constant 0.000000e+00 : f32
    %broadcast_in_dim3A_117 = vector.broadcast %jit3A_116 : f32 to vector<64x1024xf32>
    %select_n3A_118 = arith.select %gt3A_115, %select_n3A_103, %broadcast_in_dim3A_117 : vector<64x1024xi1>, vector<64x1024xf32>
    %add3A_119 = arith.addf %get3A_112, %select_n3A_118 : vector<64x1024xf32>
    %swap3A_120 = arith.constant 0 : index
    %swap3A_121 = arith.constant 0 : index
    %swap3A_122 = vector.load %arg12[%swap3A_120, %swap3A_121] : memref<64x1024xf32, #tpu.memory_space<vmem>>, vector<64x1024xf32>
    tpu.vector_store %arg12[%swap3A_120, %swap3A_121], %add3A_119 {strides = array<i32>} : memref<64x1024xf32, #tpu.memory_space<vmem>>, vector<64x1024xf32>,
    %get3A_123 = arith.constant 0 : index
    %get3A_124 = arith.constant 0 : index
    %get3A_125 = vector.load %arg10[%get3A_123, %get3A_124] : memref<64x256xf32, #tpu.memory_space<vmem>>, vector<64x256xf32>
    %add3A_126 = arith.addf %get3A_125, %convert_element_type3A_11 : vector<64x256xf32>
    %swap3A_127 = arith.constant 0 : index
    %swap3A_128 = arith.constant 0 : index
    %swap3A_129 = vector.load %arg10[%swap3A_127, %swap3A_128] : memref<64x256xf32, #tpu.memory_space<vmem>>, vector<64x256xf32>
    tpu.vector_store %arg10[%swap3A_127, %swap3A_128], %add3A_126 {strides = array<i32>} : memref<64x256xf32, #tpu.memory_space<vmem>>, vector<64x256xf32>,
    %get3A_130 = arith.constant 0 : index
    %get3A_131 = arith.constant 0 : index
    %get3A_132 = vector.load %arg11[%get3A_130, %get3A_131] : memref<64x256xf32, #tpu.memory_space<vmem>>, vector<64x256xf32>
    %jit3A_133 = arith.constant 0.000000e+00 : f32
    %broadcast_in_dim3A_134 = vector.broadcast %jit3A_133 : f32 to vector<64x256xf32>
    %select_n3A_135 = arith.select %and3A, %max3A_77, %broadcast_in_dim3A_134 : vector<64x256xi1>, vector<64x256xf32>
    %add3A_136 = arith.addf %get3A_132, %select_n3A_135 : vector<64x256xf32>
    %swap3A_137 = arith.constant 0 : index
    %swap3A_138 = arith.constant 0 : index
    %swap3A_139 = vector.load %arg11[%swap3A_137, %swap3A_138] : memref<64x256xf32, #tpu.memory_space<vmem>>, vector<64x256xf32>
    tpu.vector_store %arg11[%swap3A_137, %swap3A_138], %add3A_136 {strides = array<i32>} : memref<64x256xf32, #tpu.memory_space<vmem>>, vector<64x256xf32>,
    %eq3A_140 = arith.constant 95 : i32
    %eq3A_141 = arith.cmpi eq, %arg0, %eq3A_140 : i32
    %convert_element_type3A_142 = arith.extui %eq3A_141 : i1 to i32
    %cond3A_143 = arith.constant 0 : i32
    %cond3A_144 = arith.cmpi ne, %convert_element_type3A_142, %cond3A_143 : i32
    scf.if %cond3A_144 {
      %get3A_145 = arith.constant 0 : index
      %get3A_146 = arith.constant 0 : index
      %get3A_147 = vector.load %arg10[%get3A_145, %get3A_146] : memref<64x256xf32, #tpu.memory_space<vmem>>, vector<64x256xf32>
      %reduce_sum3A = arith.constant dense<0.000000e+00> : vector<64xf32>
      %reduce_sum3A_148 = vector.multi_reduction <add>, %get3A_147, %reduce_sum3A [1] : vector<64x256xf32> to vector<64xf32>
      %broadcast_in_dim3A_149 = vector.shape_cast %reduce_sum3A_148 : vector<64xf32> to vector<64x1xf32>
      %get3A_150 = arith.constant 0 : index
      %get3A_151 = arith.constant 0 : index
      %get3A_152 = vector.load %arg11[%get3A_150, %get3A_151] : memref<64x256xf32, #tpu.memory_space<vmem>>, vector<64x256xf32>
      %reduce_sum3A_153 = arith.constant dense<0.000000e+00> : vector<64xf32>
      %reduce_sum3A_154 = vector.multi_reduction <add>, %get3A_152, %reduce_sum3A_153 [1] : vector<64x256xf32> to vector<64xf32>
      %broadcast_in_dim3A_155 = vector.shape_cast %reduce_sum3A_154 : vector<64xf32> to vector<64x1xf32>
      %get3A_156 = arith.constant 0 : index
      %get3A_157 = arith.constant 0 : index
      %get3A_158 = vector.load %arg12[%get3A_156, %get3A_157] : memref<64x1024xf32, #tpu.memory_space<vmem>>, vector<64x1024xf32>
      %reduce_sum3A_159 = arith.constant dense<0.000000e+00> : vector<64xf32>
      %reduce_sum3A_160 = vector.multi_reduction <add>, %get3A_158, %reduce_sum3A_159 [1] : vector<64x1024xf32> to vector<64xf32>
      %broadcast_in_dim3A_161 = vector.shape_cast %reduce_sum3A_160 : vector<64xf32> to vector<64x1xf32>
      %broadcast_in_dim3A_162 = arith.constant 0.000000e+00 : f32
      %broadcast_in_dim3A_163 = vector.broadcast %broadcast_in_dim3A_162 : f32 to vector<64x1xf32>
      %concatenate3A = tpu.concatenate %broadcast_in_dim3A_149, %broadcast_in_dim3A_155, %broadcast_in_dim3A_161, %broadcast_in_dim3A_163, %broadcast_in_dim3A_163, %broadcast_in_dim3A_163, %broadcast_in_dim3A_163, %broadcast_in_dim3A_163 in 1 : vector<64x1xf32>, vector<64x1xf32>, vector<64x1xf32>, vector<64x1xf32>, vector<64x1xf32>, vector<64x1xf32>, vector<64x1xf32>, vector<64x1xf32> -> vector<64x8xf32>
      %swap3A_164 = arith.constant 0 : index
      %swap3A_165 = arith.constant 0 : index
      %swap3A_166 = vector.load %arg9[%swap3A_164, %swap3A_165] : memref<64x8xf32, #tpu.memory_space<vmem>>, vector<64x8xf32>
      tpu.vector_store %arg9[%swap3A_164, %swap3A_165], %concatenate3A {strides = array<i32>} : memref<64x8xf32, #tpu.memory_space<vmem>>, vector<64x8xf32>,
    } else {
    }
    return
  }
  func.func @transform_0(%arg0: i32) -> (i32, i32) {
    %c0_i32 = arith.constant 0 : i32
    %c0_i32_0 = arith.constant 0 : i32
    return %c0_i32, %arg0 : i32, i32
  }
  func.func @transform_1(%arg0: i32) -> (i32, i32) {
    %c0_i32 = arith.constant 0 : i32
    %c0_i32_0 = arith.constant 0 : i32
    return %c0_i32, %arg0 : i32, i32
  }
  func.func @transform_2(%arg0: i32) -> (i32, i32) {
    %c0_i32 = arith.constant 0 : i32
    %c0_i32_0 = arith.constant 0 : i32
    return %c0_i32, %arg0 : i32, i32
  }
  func.func @transform_3(%arg0: i32) -> (i32, i32) {
    %c0_i32 = arith.constant 0 : i32
    %c0_i32_0 = arith.constant 0 : i32
    return %c0_i32, %arg0 : i32, i32
  }
  func.func @transform_4(%arg0: i32) -> (i32, i32) {
    %c0_i32 = arith.constant 0 : i32
    %c0_i32_0 = arith.constant 0 : i32
    %c0_i32_1 = arith.constant 0 : i32
    return %c0_i32, %c0_i32_0 : i32, i32
  }
  func.func @transform_5(%arg0: i32) -> (i32, i32) {
    %c0_i32 = arith.constant 0 : i32
    %c0_i32_0 = arith.constant 0 : i32
    %c0_i32_1 = arith.constant 0 : i32
    return %c0_i32, %c0_i32_0 : i32, i32
  }
  func.func @transform_6(%arg0: i32) -> (i32, i32) {
    %c0_i32 = arith.constant 0 : i32
    %c0_i32_0 = arith.constant 0 : i32
    %c0_i32_1 = arith.constant 0 : i32
    return %c0_i32, %c0_i32_0 : i32, i32
  }
  func.func @transform_7(%arg0: i32) -> (i32, i32) {
    %c0_i32 = arith.constant 0 : i32
    %c0_i32_0 = arith.constant 0 : i32
    return %c0_i32, %arg0 : i32, i32
  }
  func.func @transform_8(%arg0: i32) -> (i32, i32) {
    %c0_i32 = arith.constant 0 : i32
    %c0_i32_0 = arith.constant 0 : i32
    %c0_i32_1 = arith.constant 0 : i32
    return %c0_i32, %c0_i32_0 : i32, i32
  }
}

module attributes {stable_mosaic.version = 14 : i64} {
  func.func @_select_body(%arg0: memref<64x24576xi32, #tpu.memory_space<vmem>>, %arg1: memref<64x8xf32, #tpu.memory_space<vmem>>, %arg2: memref<1x1xf32, #tpu.memory_space<vmem>>) attributes {dimension_semantics = [], scalar_prefetch = 0 : i64, scratch_operands = 0 : i64, tpu.core_type = #tpu.core_type<tc>} {
    %get3A = arith.constant 0 : index
    %get3A_0 = arith.constant 0 : index
    %get3A_1 = vector.load %arg0[%get3A, %get3A_0] : memref<64x24576xi32, #tpu.memory_space<vmem>>, vector<64x24576xi32>
    %get3A_2 = arith.constant 0 : index
    %get3A_3 = arith.constant 0 : index
    %get3A_4 = vector.load %arg1[%get3A_2, %get3A_3] : memref<64x8xf32, #tpu.memory_space<vmem>>, vector<64x8xf32>
    %slice3A = vector.extract_strided_slice %get3A_4 {offsets = [0, 0], sizes = [64, 1], strides = [1, 1]} : vector<64x8xf32> to vector<64x1xf32>
    %slice3A_5 = vector.extract_strided_slice %get3A_4 {offsets = [0, 1], sizes = [64, 1], strides = [1, 1]} : vector<64x8xf32> to vector<64x1xf32>
    %slice3A_6 = vector.extract_strided_slice %get3A_4 {offsets = [0, 2], sizes = [64, 1], strides = [1, 1]} : vector<64x8xf32> to vector<64x1xf32>
    %sub3A = arith.constant 2.456400e+04 : f32
    %sub3A_7 = vector.broadcast %sub3A : f32 to vector<64x1xf32>
    %sub3A_8 = arith.subf %sub3A_7, %slice3A : vector<64x1xf32>
    %mul3A = arith.constant 3.000000e+00 : f32
    %mul3A_9 = vector.broadcast %mul3A : f32 to vector<64x1xf32>
    %mul3A_10 = arith.mulf %mul3A_9, %slice3A : vector<64x1xf32>
    %min3A = arith.minimumf %mul3A_10, %sub3A_8 : vector<64x1xf32>
    %convert_element_type3A = arith.fptosi %min3A : vector<64x1xf32> to vector<64x1xi32>
    %broadcast_in_dim3A = arith.constant 0 : i32
    %broadcast_in_dim3A_11 = vector.broadcast %broadcast_in_dim3A : i32 to vector<64x1xi32>
    %broadcast_in_dim3A_12 = arith.constant 2139095040 : i32
    %broadcast_in_dim3A_13 = vector.broadcast %broadcast_in_dim3A_12 : i32 to vector<64x1xi32>
    %scan3A = arith.constant 0 : i32
    %scan3A_14 = arith.constant 31 : i32
    %scan3A_15 = arith.addi %scan3A, %scan3A_14 : i32
    %scan3A_16 = arith.constant 1 : i32
    %scan3A_17:2 = scf.for %scan3A_50 = %scan3A to %scan3A_15 step %scan3A_16 iter_args(%scan3A_51 = %broadcast_in_dim3A_11, %scan3A_52 = %broadcast_in_dim3A_13) -> (vector<64x1xi32>, vector<64x1xi32>)  : i32 {
      %sub3A_53 = arith.subi %scan3A_52, %scan3A_51 : vector<64x1xi32>
      %jit3A_54 = arith.constant 2 : i32
      %div3A_55 = vector.broadcast %jit3A_54 : i32 to vector<64x1xi32>
      %div3A_56 = arith.divsi %sub3A_53, %div3A_55 : vector<64x1xi32>
      %sign3A = arith.constant 0 : i32
      %sign3A_57 = vector.broadcast %sign3A : i32 to vector<64x1xi32>
      %sign3A_58 = arith.cmpi sgt, %sub3A_53, %sign3A_57 : vector<64x1xi32>
      %sign3A_59 = arith.extui %sign3A_58 : vector<64x1xi1> to vector<64x1xi32>
      %sign3A_60 = arith.constant 0 : i32
      %sign3A_61 = vector.broadcast %sign3A_60 : i32 to vector<64x1xi32>
      %sign3A_62 = arith.cmpi slt, %sub3A_53, %sign3A_61 : vector<64x1xi32>
      %sign3A_63 = arith.extui %sign3A_62 : vector<64x1xi1> to vector<64x1xi32>
      %sign3A_64 = arith.subi %sign3A_59, %sign3A_63 : vector<64x1xi32>
      %sign3A_65 = arith.constant 0 : i32
      %sign3A_66 = arith.cmpi sgt, %jit3A_54, %sign3A_65 : i32
      %sign3A_67 = arith.extui %sign3A_66 : i1 to i32
      %sign3A_68 = arith.constant 0 : i32
      %sign3A_69 = arith.cmpi slt, %jit3A_54, %sign3A_68 : i32
      %sign3A_70 = arith.extui %sign3A_69 : i1 to i32
      %sign3A_71 = arith.subi %sign3A_67, %sign3A_70 : i32
      %ne3A = vector.broadcast %sign3A_71 : i32 to vector<64x1xi32>
      %ne3A_72 = arith.cmpi ne, %sign3A_64, %ne3A : vector<64x1xi32>
      %rem3A = vector.broadcast %jit3A_54 : i32 to vector<64x1xi32>
      %rem3A_73 = arith.remsi %sub3A_53, %rem3A : vector<64x1xi32>
      %ne3A_74 = arith.constant 0 : i32
      %ne3A_75 = vector.broadcast %ne3A_74 : i32 to vector<64x1xi32>
      %ne3A_76 = arith.cmpi ne, %rem3A_73, %ne3A_75 : vector<64x1xi32>
      %and3A = arith.andi %ne3A_72, %ne3A_76 : vector<64x1xi1>
      %sub3A_77 = arith.constant 1 : i32
      %sub3A_78 = vector.broadcast %sub3A_77 : i32 to vector<64x1xi32>
      %sub3A_79 = arith.subi %div3A_56, %sub3A_78 : vector<64x1xi32>
      %select_n3A_80 = arith.select %and3A, %sub3A_79, %div3A_56 : vector<64x1xi1>, vector<64x1xi32>
      %add3A_81 = arith.addi %scan3A_51, %select_n3A_80 : vector<64x1xi32>
      %ge3A = vector.broadcast %add3A_81 : vector<64x1xi32> to vector<64x24576xi32>
      %ge3A_82 = arith.cmpi sge, %get3A_1, %ge3A : vector<64x24576xi32>
      %convert_element_type3A_83 = arith.extui %ge3A_82 : vector<64x24576xi1> to vector<64x24576xi32>
      %reduce_sum3A_84 = arith.constant dense<0> : vector<64xi32>
      %reduce_sum3A_85 = vector.multi_reduction <add>, %convert_element_type3A_83, %reduce_sum3A_84 [1] : vector<64x24576xi32> to vector<64xi32>
      %broadcast_in_dim3A_86 = vector.shape_cast %reduce_sum3A_85 : vector<64xi32> to vector<64x1xi32>
      %ge3A_87 = arith.cmpi sge, %broadcast_in_dim3A_86, %convert_element_type3A : vector<64x1xi32>
      %select_n3A_88 = arith.select %ge3A_87, %add3A_81, %scan3A_51 : vector<64x1xi1>, vector<64x1xi32>
      %select_n3A_89 = arith.select %ge3A_87, %scan3A_52, %add3A_81 : vector<64x1xi1>, vector<64x1xi32>
      scf.yield %select_n3A_88, %select_n3A_89 : vector<64x1xi32>, vector<64x1xi32>
    }
    %bitcast_convert_type3A = tpu.bitcast %get3A_1 : vector<64x24576xi32> -> vector<64x24576xf32>
    %gt3A = vector.broadcast %scan3A_17#0 : vector<64x1xi32> to vector<64x24576xi32>
    %gt3A_18 = arith.cmpi sgt, %get3A_1, %gt3A : vector<64x24576xi32>
    %convert_element_type3A_19 = arith.extui %gt3A_18 : vector<64x24576xi1> to vector<64x24576xi32>
    %reduce_sum3A = arith.constant dense<0> : vector<64xi32>
    %reduce_sum3A_20 = vector.multi_reduction <add>, %convert_element_type3A_19, %reduce_sum3A [1] : vector<64x24576xi32> to vector<64xi32>
    %broadcast_in_dim3A_21 = vector.shape_cast %reduce_sum3A_20 : vector<64xi32> to vector<64x1xi32>
    %jit3A = arith.constant 0.000000e+00 : f32
    %broadcast_in_dim3A_22 = vector.broadcast %jit3A : f32 to vector<64x24576xf32>
    %select_n3A = arith.select %gt3A_18, %bitcast_convert_type3A, %broadcast_in_dim3A_22 : vector<64x24576xi1>, vector<64x24576xf32>
    %reduce_sum3A_23 = arith.constant dense<0.000000e+00> : vector<64xf32>
    %reduce_sum3A_24 = vector.multi_reduction <add>, %select_n3A, %reduce_sum3A_23 [1] : vector<64x24576xf32> to vector<64xf32>
    %broadcast_in_dim3A_25 = vector.shape_cast %reduce_sum3A_24 : vector<64xf32> to vector<64x1xf32>
    %bitcast_convert_type3A_26 = tpu.bitcast %scan3A_17#0 : vector<64x1xi32> -> vector<64x1xf32>
    %sub3A_27 = arith.subi %convert_element_type3A, %broadcast_in_dim3A_21 : vector<64x1xi32>
    %convert_element_type3A_28 = arith.sitofp %sub3A_27 : vector<64x1xi32> to vector<64x1xf32>
    %mul3A_29 = arith.mulf %convert_element_type3A_28, %bitcast_convert_type3A_26 : vector<64x1xf32>
    %add3A = arith.addf %broadcast_in_dim3A_25, %mul3A_29 : vector<64x1xf32>
    %gt3A_30 = arith.constant 0 : i32
    %gt3A_31 = vector.broadcast %gt3A_30 : i32 to vector<64x1xi32>
    %gt3A_32 = arith.cmpi sgt, %convert_element_type3A, %gt3A_31 : vector<64x1xi32>
    %jit3A_33 = arith.constant 0.000000e+00 : f32
    %broadcast_in_dim3A_34 = vector.broadcast %jit3A_33 : f32 to vector<64x1xf32>
    %select_n3A_35 = arith.select %gt3A_32, %add3A, %broadcast_in_dim3A_34 : vector<64x1xi1>, vector<64x1xf32>
    %add3A_36 = arith.addf %select_n3A_35, %slice3A_5 : vector<64x1xf32>
    %add3A_37 = arith.addf %add3A_36, %slice3A_6 : vector<64x1xf32>
    %reduce_sum3A_38 = vector.shape_cast %add3A_37 : vector<64x1xf32> to vector<1x64x1xf32>
    %reduce_sum3A_39 = arith.constant dense<0.000000e+00> : vector<1xf32>
    %reduce_sum3A_40 = vector.multi_reduction <add>, %reduce_sum3A_38, %reduce_sum3A_39 [1, 2] : vector<1x64x1xf32> to vector<1xf32>
    %reduce_sum3A_41 = vector.shape_cast %reduce_sum3A_40 : vector<1xf32> to vector<1x1x1xf32>
    %reduce_sum3A_42 = vector.extract %reduce_sum3A_41[0, 0, 0] : f32 from vector<1x1x1xf32>
    %reduce_sum3A_43 = vector.shape_cast %slice3A : vector<64x1xf32> to vector<1x64x1xf32>
    %reduce_sum3A_44 = arith.constant dense<0.000000e+00> : vector<1xf32>
    %reduce_sum3A_45 = vector.multi_reduction <add>, %reduce_sum3A_43, %reduce_sum3A_44 [1, 2] : vector<1x64x1xf32> to vector<1xf32>
    %reduce_sum3A_46 = vector.shape_cast %reduce_sum3A_45 : vector<1xf32> to vector<1x1x1xf32>
    %reduce_sum3A_47 = vector.extract %reduce_sum3A_46[0, 0, 0] : f32 from vector<1x1x1xf32>
    %div3A = arith.divf %reduce_sum3A_42, %reduce_sum3A_47 : f32
    %reshape3A = vector.broadcast %div3A : f32 to vector<1x1xf32>
    %swap3A = arith.constant 0 : index
    %swap3A_48 = arith.constant 0 : index
    %swap3A_49 = vector.load %arg2[%swap3A, %swap3A_48] : memref<1x1xf32, #tpu.memory_space<vmem>>, vector<1x1xf32>
    tpu.vector_store %arg2[%swap3A, %swap3A_48], %reshape3A {strides = array<i32>} : memref<1x1xf32, #tpu.memory_space<vmem>>, vector<1x1xf32>,
    return
  }
}

</mosaic_0001>

<sc_bundles>
// kernel: sparse-core-data-format-call.cloned.1.call-start
scs
called_computation_lowered:
.L_overlay_start_0:
0x0: {  	s1 =	sld [smem:$0x3FD9]  }
0x1: {  	s2 =	sld [smem:$0x3FFE];
	_ =	sdelay $0x1  }
0x2: {  	s3 =	srdreg.scid  }
0x3: {  	s0 =	sand.u32 $0x1, s3  }
0x4: {  	s17 =	sshll.u32 s0, $0xA;
	s1 =	sadd.s32 s2, s1  }
0x5: {  	s1 =	sadd.s32 s1, s17  }
0x6: {  	[smem:$0x3FC4] =	sst s1  }
0x7: {  	_ = 	snop  }
0x8: {  	(tm) =	ssettm $0x1  }
0x9: {  	s18 =	sld [smem:$0x3FFB];
	_ =	sdelay $0x3  }
0xa: {  	_ =	strace s18  }
0xb: {  	s1 =	sld [smem:$0x3FFC];
	_ =	sdelay $0x3  }
0xc: {  	_ =	strace s1  }
0xd: {  	s1 =	sld [smem:$0x3FFD];
	_ =	sdelay $0x3  }
0xe: {  	_ =	strace s1  }
0xf: {  	_ =	strace $0x8FFFFFFF  }
0x10: {  	s19 =	sld [smem:$0x3FDB];
	_ =	sdelay $0x1  }
0x11: {  	s20 =	simm.s32 $_scs_section_size  }
0x12: {  	s4 =	simm.s32 $_size__tile_overlayer_lowered;
	s5 =	simm.s32 $_tile_overlayer_lowered  }
0x13: {  	s23 =	simm.s32 $0x1BFF;
	s22 =	sshll.u32 s5, $0x1;
	s1 =	sadd.s32 s20, s19  }
0x14: {  	s6 =	simm.s32 $0x0;
	s21 =	sshll.u32 s4, $0x1;
	s4 =	sadd.s32 s22, s1  }
0x15: {  	[timem:s6], [sflag:s23] =	dma.local [hbm:s4], s21  }
0x16: {  	_ =	swait.ge [sflag:s23], s21  }
0x17: {  	s2 =	ssub.s32 $0x0, s21;
	[sflag:s23] =	ssyncset.done $0x0  }
0x18: {  	[sflag:s23] =	ssyncadd.s32 s2;
	_ =	sdelay $0x1  }
0x19: {  	s24 =	simm.s32 $0x1B8B  }
0x1a: {  	_ =	swait.ge [sflag:s24], $0x1  }
0x1b: {  	[sflag:s24] =	ssyncset.done $0x0  }
0x1c: {  	s26 =	simm.s32 $0x1B8E;
	s25 =	sld [smem:$0x3FFE];
	[sflag:s24] =	ssyncadd.s32 $0xFFFFFFFF  }
0x1d: {  	s27 =	simm.s32 $execute0_lowered;
	[smem:$0x3FD2] =	sst s26  }
0x1e: {  	s4 =	sshll.u32 s27, $0x1;
	_ =	strace $0x80000046;
	[dreg:$0x1] =	wrdreg $0xFFFFFFFF  }
0x1f: {  	s28 =	simm.s32 $_size_execute0_lowered;
	s1 =	sadd.s32 s1, s4;
	[dreg:$0x0] =	wrdreg $0x0  }
0x20: {  	s4 =	sshll.u32 s28, $0x1;
	[dreg:$0x2] =	wrdreg s1  }
0x21: {  	[dreg:$0x3] =	wrdreg s4  }
0x22: {  	[dreg:$0x4] =	wrdreg $0xC0  }
0x23: {  	_ =	task [dreg:s6], $0x5FFFF  }
0x24: {  	[dreg:$0x1] =	wrdreg $0xFFFFFFFF  }
0x25: {  	[dreg:$0x0] =	wrdreg $0x60  }
0x26: {  	[dreg:$0x2] =	wrdreg s25  }
0x27: {  	[dreg:$0x3] =	wrdreg $0x9  }
0x28: {  	_ =	task.clear_ibuf [dreg:s6], $0x4FFFF;
	_ =	strace $0x90000046  }
0x29: {  	s29 =	simm.s32 $0x9;
	_ =	strace $0x80000048  }
0x2a: {  	_ =	swait.ge [sflag:s29], $0x1  }
0x2b: {  	[sflag:s29] =	ssyncadd.s32 $0xFFFFFFFF  }
0x2c: {  	_ =	strace $0x90000048  }
0x2d: {  	_ =	sfence  }
0x2e: {  	s30 =	sld [smem:$0x0];
	_ =	sdelay $0x2  }
0x2f: {  	s31 =	sshll.u32 s3, $0xD;
	s3 =	sshrl.u32 s3, $0x2  }
0x30: {  	s2 =	sand.u32 $0x4000, s31;
	s1 =	sadd.s32 s3, s30  }
0x31: {  	s0 =	sor.u32 s2, s0;
	s1 =	sshll.u32 s1, $0x11  }
0x32: {  	s0 =	sor.u32 s1, s0  }
0x33: {  	s0 =	sadd.s32 $0x8F2B, s0  }
0x34: {  	[sflag:s0] =	ssyncadd.remote.s32 $0x1  }
0x35: {  	_ =	sfence.sel $0xFFFF  }
0x36: {  	[dreg:$0x0] =	wrdreg $0xFFFFFFFF;
	(pc) =	sbr.abs _section_cstart, $3  }
0x37: {  	[dreg:$0x1] =	wrdreg $0xFFFFFFFF  }
0x38: {  	_ =	task.clear_ibuf [dreg:s6], $0x2FFFF;
	_ =	strace $0x9FFFFFFF  }
0x39: {  	(tm) =	ssettm $0x7FFFFFFF  }
tec
execute0_lowered:
.L_overlay_start_1:
0x0: {  	(tag) =	ssettag $0x1  }
0x1: {  	s0 =	rddreg [dreg:$0x0];
	s1 =	srdreg.scid  }
0x2: {  	_ =	strace $0x80000047;
	s2 =	stileid.u32;
	s30 =	simm.s32 $0x1  }
0x3: {  	s31 =	simm.s32 $0x2;
	s14 =	simm.s32 $0x0;
	p0 =	por $0x0, $0x0  }
0x4: {  	s15 =	simm.s32 $0x0;
	s16 =	simm.s32 $0x0;
	s7 =	simm.s32 $0x0  }
0x5: {  	s9 =	simm.s32 $0x0;
	s10 =	simm.s32 $0x0;
	s12 =	simm.s32 $0x0  }
.Ltmp0:
0x6: {  	s13 =	simm.s32 $0x0;
	s1 =	sshll.u32 s1, $0x4;
	(pc) =	sbr.rel .LBB1_1-.Ltmp0, $4  }
0x7: {  	s6 =	sadd.s32 $0x1400, s0;
	s0 =	sadd.s32 $0x1F9400, s0;
	s1 =	sand.u32 $0x10, s1  }
0x8: {  	s8 =	simm.s32 $0x0;
	[dreg:$0x3] =	wrdreg s0;
	s29 =	sor.u32 s2, s1  }
0x9: {  	[sflag:s30] =	ssyncpa.u1 $0x0;
	[dreg:$0x2] =	wrdreg s6;
	s17 =	sshll.u32 s29, $0x8  }
0xa: {  	[sflag:s31] =	ssyncpa.u1 $0x0;
	s11 =	smov.u32 s17;
	[dreg:$0x4] =	wrdreg s17  }
.LBB1_14:
0xb: {  	s3 =	rddreg [dreg:$0x5]  }
0xc: {  	s0 =	sshll.u32 s10, $0x7;
	s4 =	rddreg [dreg:$0x7]  }
0xd: {  	s1 =	sshll.u32 s9, $0x3;
	s17 =	sshll.u32 s9, $0x1;
	s5 =	rddreg [dreg:$0x6]  }
0xe: {  	p1 =	sgt.s32 s10, $0x16;
	p2 =	sgt.s32 s9, $0x40;
	s24 =	rddreg [dreg:$0x8]  }
0xf: {  	s25 =	smul.u32 $0xC0, s7;
	s26 =	sshrl.u32 s9, $0x3;
	s27 =	rddreg [dreg:$0x3]  }
0x10: {  	s28 =	sand.u32 $0x7, s9;
	s2 =	sand.u32 $0xFFFFFC00, s0;
	s1 =	sand.u32 $0xFFFFFC00, s1  }
0x11: {  	s31 =	simm.s32 $0x600;
	s0 =	sand.u32 $0x300, s0;
	s1 =	sadd.s32 s2, s1  }
0x12: {  	s18 =	sand.u32 $0x80, s17;
	s2 =	smov.u32 s10;
	s0 =	sor.u32 s0, s1  }
0x13: {  	s2 =	simm.s32 @!p1 $0x16;
	p1 =	sgt.s32 s7, $0x5EF4;
	s1 =	smov.u32 s7  }
0x14: {  	s0 =	sor.u32 s18, s0;
	s2 =	sadd.s32 s3, s2;
	s3 =	smov.u32 s9  }
0x15: {  	s1 =	simm.s32 @!p1 $0x5EF4;
	s0 =	sshrl.u32 s0, $0x7;
	s3 =	simm.s32 @!p2 $0x40  }
0x16: {  	s1 =	sadd.s32 s4, s1;
	s19 =	sadd.s32 $0xFFFFFFEA, s2;
	s3 =	sadd.s32 s5, s3  }
0x17: {  	s2 =	ssub.s32 $0x18, s2;
	p1 =	sgt.s32 s19, $0x1;
	s20 =	sadd.s32 $0xFFFFFFC0, s3  }
0x18: {  	s2 =	simm.s32 @p1 $0x0;
	s3 =	ssub.s32 $0x80, s3;
	p1 =	sgt.s32 s20, $0x3F  }
0x19: {  	s21 =	smulhi.u32 $0xAAAAAAB, s0;
	s22 =	sadd.s32 $0xFFFFA10C, s1;
	s3 =	simm.s32 @p1 $0x0  }
0x1a: {  	s1 =	ssub.s32 $0x5FF4, s1;
	p1 =	sgt.s32 s22, $0xFF;
	s2 =	smul.u32 s2, s3  }
0x1b: {  	s6 =	rddreg [dreg:$0x2];
	s23 =	smul.u32 $0x18, s21;
	s1 =	simm.s32 @p1 $0x0  }
0x1c: {  	s29 =	sshll.u32 s28, $0x12;
	s17 =	rddreg [dreg:$0x4];
	s1 =	smul.u32 s1, s2  }
0x1d: {  	s30 =	sor.u32 $0x40, s29;
	s0 =	ssub.s32 s0, s23;
	s2 =	smul.u32 $0x8200, s24  }
0x1e: {  	s4 =	sand.u32 $0x7, s26;
	s3 =	sadd.s32 s27, s25;
	s0 =	sshll.u32 s0, $0x3  }
0x1f: {  	s3 =	sadd.s32 s4, s3;
	s1 =	sshrl.u32 s1, $0x1;
	s2 =	sshrl.u32 s2, $0x1  }
0x20: {  	s0 =	sadd.s32 s0, s3;
	s1 =	sand.u32 $0x3FFFFFFF, s1;
	s2 =	sor.u32 $0x8000, s2  }
0x21: {  	[hbm4b:s0+s30] =	stream.strided.scatter [tilespmem:s2], [sflag:$0x2], s1, s31, s30, $0x18;
	[tilespmem:$0x10200] =	vst v63  }
.LBB1_15:
0x22: {  	p1 =	slt.u32 s8, $0x2;
	s0 =	smov.u32 s16  }
0x23: {  	p2 =	sgt.s32 @!p1 s16, $0x16;
	s1 =	sshra.s32 @!p1 s16, $0x1F;
	p3 =	sgt.s32 @!p1 s14, $0x5EF4  }
0x24: {  	s2 =	sshra.s32 @!p1 s14, $0x1F;
	p2 =	por !p2, p1;
	s1 =	sand.u32 @!p1 s1, s16  }
0x25: {  	p3 =	por !p3, p1;
	s0 =	simm.s32 @p2 $0x16;
	p2 =	sgt.s32 @!p1 s15, $0x40  }
0x26: {  	s0 =	ssub.s32 @!p1 s0, s1;
	s1 =	sshra.s32 @!p1 s15, $0x1F;
	p2 =	por !p2, p1  }
0x27: {  	s2 =	sand.u32 @!p1 s2, s14;
	s1 =	sand.u32 @!p1 s1, s15;
	s15 =	simm.s32 @p2 $0x40  }
0x28: {  	s14 =	simm.s32 @p3 $0x5EF4;
	s3 =	sadd.s32 @!p1 $0xFFFFFFEA, s0;
	s1 =	ssub.s32 @!p1 s15, s1  }
0x29: {  	s2 =	ssub.s32 @!p1 s14, s2;
	p2 =	sgt.s32 @!p1 s3, $0x1;
	s3 =	sadd.s32 @!p1 $0xFFFFFFC0, s1  }
0x2a: {  	s4 =	sadd.s32 @!p1 $0xFFFFA10C, s2;
	s0 =	ssub.s32 @!p1 $0x18, s0;
	p3 =	sgt.s32 @!p1 s3, $0x3F  }
0x2b: {  	p2 =	por !p2, p1;
	s1 =	ssub.s32 @!p1 $0x80, s1;
	p3 =	por !p3, p1  }
0x2c: {  	s0 =	simm.s32 @!p2 $0x0;
	p2 =	sgt.s32 @!p1 s4, $0xFF;
	s1 =	simm.s32 @!p3 $0x0  }
0x2d: {  	s2 =	ssub.s32 @!p1 $0x5FF4, s2;
	p2 =	por !p2, p1;
	s0 =	smul.u32 @!p1 s0, s1  }
0x2e: {  	s3 =	smov.u32 s12;
	s2 =	simm.s32 @!p2 $0x0;
	s1 =	sadd.s32 $0x2000, s11  }
0x2f: {  	p2 =	sgt.s32 s1, $0x5FF3;
	s0 =	smul.u32 @!p1 s2, s0;
	s2 =	sadd.s32 $0x40, s12  }
0x30: {  	s8 =	sadd.s32 $0x1, s8;
	s3 =	smov.u32 @p2 s2  }
0x31: {  	s4 =	smov.u32 s13;
	s2 =	sadd.s32 $0x2, s13;
	p3 =	sgt.s32 s3, $0x3F  }
0x32: {  	p0 =	por !p0, !p0;
	s16 =	smov.u32 s10;
	s4 =	smov.u32 @p3 s2  }
0x33: {  	s10 =	smov.u32 s13;
	s1 =	smov.u32 @p2 s17;
	p2 =	sgt.s32 s4, $0x14  }
0x34: {  	s14 =	smov.u32 s7;
	s4 =	simm.s32 @p2 $0x0;
	p2 =	sne.s32 s8, $0x23  }
.Ltmp1:
0x35: {  	s7 =	smov.u32 s11;
	s0 =	sshrl.u32 @!p1 s0, $0x1;
	(pc) =	sbr.rel @!p2 .LBB1_16-.Ltmp1, $4  }
0x36: {  	s15 =	smov.u32 s9;
	s0 =	sand.u32 @!p1 $0x3FFFFFFF, s0;
	s2 =	simm.s32 @!p1 $0x2  }
0x37: {  	s9 =	smov.u32 s12;
	s11 =	smov.u32 s1;
	_ =	swait.ge @!p1 [sflag:s2], s0  }
0x38: {  	s3 =	simm.s32 @p3 $0x0;
	s0 =	ssub.s32 @!p1 $0x0, s0;
	[sflag:s2] =	ssyncset.done @!p1 $0x0  }
0x39: {  	s12 =	smov.u32 s3;
	[sflag:s2] =	ssyncadd.s32 @!p1 s0;
	s13 =	smov.u32 s4  }
.LBB1_1:
0x3a: {  	p1 =	sgt.u32 s8, $0x20  }
0x3b: {  	s0 =	sshrl.u32 @!p1 s12, $0x3  }
0x3c: {  	s1 =	sand.u32 @!p1 $0x1, s12;
	s2 =	sshll.u32 @!p1 s11, $0x3;
	s3 =	sshll.u32 @!p1 s12, $0x7  }
0x3d: {  	s4 =	sshll.u32 @!p1 s11, $0x1;
	p2 =	sgt.s32 @!p1 s13, $0x13;
	s5 =	sshra.s32 @!p1 s11, $0x1F  }
0x3e: {  	s0 =	smul.u32 @!p1 $0x30000, s0;
	s2 =	sand.u32 @!p1 $0xFFFFFC00, s2;
	s3 =	sand.u32 @!p1 $0x300, s3  }
0x3f: {  	s4 =	sand.u32 @!p1 $0xFE, s4;
	p2 =	por !p2, p1;
	s1 =	sor.u32 @!p1 s1, s3  }
0x40: {  	s3 =	sshra.s32 @!p1 s13, $0x1F;
	s0 =	sadd.s32 @!p1 s0, s2;
	s1 =	sor.u32 @!p1 s4, s1  }
0x41: {  	s2 =	smov.u32 s13;
	s3 =	sand.u32 @!p1 s3, s13;
	s4 =	smov.u32 s11  }
0x42: {  	s2 =	simm.s32 @p2 $0x13;
	p2 =	sgt.s32 @!p1 s11, $0x5F00;
	s1 =	sor.u32 @!p1 s0, s1  }
0x43: {  	s0 =	smulhi.u32 @!p1 $0xAAAAAAAB, s0;
	p2 =	por !p2, p1;
	s2 =	ssub.s32 @!p1 s2, s3  }
0x44: {  	s3 =	sand.u32 @!p1 s5, s11;
	s4 =	simm.s32 @p2 $0x5F00;
	s5 =	sadd.s32 @!p1 $0xFFFFFFED, s2  }
0x45: {  	s2 =	ssub.s32 @!p1 $0x15, s2;
	s0 =	sshrl.u32 @!p1 s0, $0xE;
	s3 =	ssub.s32 @!p1 s4, s3  }
0x46: {  	p2 =	sgt.s32 @!p1 s5, $0x1;
	s4 =	ssub.s32 @!p1 $0x0, s12;
	s0 =	sand.u32 @!p1 $0x3F, s0  }
0x47: {  	s5 =	sadd.s32 @!p1 $0xFFFFA100, s3;
	s4 =	smin.u32 @!p1 s12, s4;
	p2 =	por !p2, p1  }
0x48: {  	p3 =	sgt.s32 @!p1 s5, $0xFF;
	s5 =	smulhi.u32 @!p1 $0xAAAAAAAB, s1;
	p4 =	sgt.s32 @!p1 s4, $0x3F  }
0x49: {  	s2 =	simm.s32 @!p2 $0x0;
	s4 =	ssub.s32 @!p1 $0x40, s4;
	p2 =	por !p4, p1  }
0x4a: {  	s3 =	ssub.s32 @!p1 $0x6000, s3;
	s0 =	smul.u32 @!p1 $0x600, s0;
	s4 =	simm.s32 @!p2 $0x0  }
0x4b: {  	s5 =	sshrl.u32 @!p1 s5, $0xE;
	p2 =	por !p3, p1;
	s2 =	smul.u32 @!p1 s4, s2  }
0x4c: {  	s4 =	smul.u32 @!p1 $0x6000, s5;
	s3 =	simm.s32 @!p2 $0x0  }
0x4d: {  	s2 =	smul.u32 @!p1 s3, s2  }
0x4e: {  	s5 =	sxor.u32 @!p1 $0xFFFFFFFF, s8;
	s3 =	smul.u32 @!p1 $0x18000, s13;
	s1 =	ssub.s32 @!p1 s1, s4  }
0x4f: {  	s4 =	sshrl.u32 @!p1 s1, $0x4;
	s1 =	sshll.u32 @!p1 s1, $0x11;
	s2 =	sshrl.u32 @!p1 s2, $0x1  }
0x50: {  	s3 =	sadd.s32 @!p1 s6, s3;
	s1 =	sand.u32 @!p1 $0x1C0000, s1;
	s2 =	sand.u32 @!p1 $0x3FFFFFFF, s2  }
0x51: {  	s0 =	sadd.s32 @!p1 s0, s3;
	s3 =	sshll.u32 @!p1 s5, $0xE;
	s1 =	sor.u32 @!p1 $0x400, s1  }
0x52: {  	s0 =	sadd.s32 @!p1 s4, s0;
	s3 =	sand.u32 @!p1 $0x4000, s3;
	s4 =	simm.s32 @!p1 $0x18000  }
0x53: {  	[tilespmem:s3], [sflag:$0x1] =	stream.strided.gather @!p1 [hbm4b:s0+s1], s2, s4, s1, $0x38;
	[tilespmem:$0x10200] =	vst v63  }
0x54: {  	p1 =	seq.s32 s8, $0x0  }
0x55: {  	p2 =	seq.s32 @!p1 s8, $0x22  }
0x56: {  	p1 =	por p1, p2  }
.Ltmp2:
0x57: {  	_ = 	snop;
	(pc) =	sbr.rel @p1 .LBB1_15-.Ltmp2, $1  }
0x58: {  	_ =	sdelay $0x3  }
0x59: {  	s0 =	ssub.s32 $0x0, s10  }
0x5a: {  	s1 =	sshra.s32 s10, $0x1F;
	p1 =	sgt.s32 s10, $0x13;
	s2 =	smov.u32 s10  }
0x5b: {  	s25 =	ssub.s32 $0x0, s9;
	s26 =	sshra.s32 s9, $0x1F;
	p2 =	sgt.s32 s9, $0x0  }
0x5c: {  	s3 =	smov.u32 s9;
	s27 =	ssub.s32 $0x0, s7;
	s28 =	sshra.s32 s7, $0x1F  }
0x5d: {  	s4 =	smov.u32 s7;
	s0 =	sand.u32 s0, s1;
	s2 =	simm.s32 @!p1 $0x13  }
0x5e: {  	s5 =	sand.u32 s25, s26;
	s3 =	simm.s32 @!p2 $0x0;
	p2 =	sgt.s32 s7, $0x5F00  }
0x5f: {  	[dreg:$0x5] =	wrdreg s0;
	s0 =	sadd.s32 s0, s2;
	s3 =	sadd.s32 s3, s5  }
0x60: {  	s2 =	sand.u32 s27, s28;
	s4 =	simm.s32 @!p2 $0x5F00;
	s24 =	sadd.s32 $0xFFFFFFED, s0  }
0x61: {  	s0 =	ssub.s32 $0x15, s0;
	p2 =	sgt.s32 s3, $0x3F;
	s1 =	ssub.s32 $0x40, s3  }
0x62: {  	[dreg:$0x7] =	wrdreg s2;
	s2 =	sadd.s32 s2, s4;
	p1 =	sgt.s32 s24, $0x1  }
0x63: {  	s1 =	simm.s32 @p2 $0x0;
	s29 =	sadd.s32 $0xFFFFA100, s2;
	s0 =	simm.s32 @p1 $0x0  }
0x64: {  	p1 =	sgt.s32 s29, $0xFF;
	s0 =	smul.u32 s0, s1;
	s1 =	ssub.s32 $0x6000, s2  }
0x65: {  	s1 =	simm.s32 @p1 $0x0  }
0x66: {  	s0 =	smul.u32 s1, s0;
	s1 =	sadd.s32 $0x2, s10  }
0x67: {  	p1 =	slt.s32 s1, $0x15  }
0x68: {  	s1 =	simm.s32 @!p1 $0x15  }
0x69: {  	s21 =	ssub.s32 s1, s10  }
0x6a: {  	p1 =	slt.s32 s21, $0x1  }
.Ltmp3:
0x6b: {  	s0 =	sshrl.u32 s0, $0x1;
	(pc) =	sbr.rel @p1 .LBB1_14-.Ltmp3, $4  }
0x6c: {  	s30 =	simm.s32 $0x1;
	[dreg:$0x6] =	wrdreg s5;
	s0 =	sand.u32 $0x3FFFFFFF, s0  }
0x6d: {  	_ =	swait.ge [sflag:s30], s0  }
0x6e: {  	s31 =	sand.u32 $0x1, s8;
	s0 =	ssub.s32 $0x0, s0;
	[sflag:s30] =	ssyncset.done $0x0  }
0x6f: {  	[dreg:$0x8] =	wrdreg s31;
	[sflag:s30] =	ssyncadd.s32 s0  }
0x70: {  	s0 =	sadd.s32 $0x100, s7  }
0x71: {  	p1 =	slt.s32 s0, $0x5FF4  }
0x72: {  	s0 =	simm.s32 @!p1 $0x5FF4  }
0x73: {  	s1 =	simm.s32 $0x1;
	s0 =	ssub.s32 s0, s7  }
0x74: {  	s2 =	sadd.s32 $0x40, s9;
	s1 =	simm.s32 @!p0 $0x0;
	s0 =	sadd.s32 $0xF, s0  }
0x75: {  	s31 =	rddreg [dreg:$0x8];
	s1 =	smul.u32 $0x10400, s1;
	s3 =	sshrl.u32 s0, $0x7  }
0x76: {  	s29 =	simm.s32 $0x0;
	p1 =	slt.s32 s2, $0x40;
	s4 =	smul.u32 $0x8200, s3  }
.Ltmp4:
0x77: {  	s25 =	sshll.u32 s31, $0xE;
	s2 =	simm.s32 @!p1 $0x40;
	(pc) =	sbr.rel .LBB1_4-.Ltmp4, $4  }
0x78: {  	s22 =	ssub.s32 s2, s9;
	s30 =	sshrl.u32 s1, $0x2;
	s23 =	sand.u32 $0xFFFFFFF0, s0  }
0x79: {  	s24 =	sand.u32 $0xFFFFFF80, s0;
	s26 =	sor.u32 $0x8000, s30;
	s1 =	sadd.s32 s4, s1  }
0x7a: {  	p1 =	slt.s32 s22, $0x1;
	p2 =	slt.s32 s0, $0x80;
	s1 =	sshra.s32 s1, $0x2  }
0x7b: {  	s27 =	sshll.u32 s3, $0xA;
	p3 =	sge.s32 s24, s23;
	s28 =	sadd.s32 $0x8000, s1  }
.LBB1_13:
0x7c: {  	s29 =	sadd.s32 $0x2, s29  }
0x7d: {  	p4 =	slt.s32 s29, s21  }
.Ltmp5:
0x7e: {  	_ = 	snop;
	(pc) =	sbr.rel @!p4 .LBB1_14-.Ltmp5, $1  }
0x7f: {  	_ =	sdelay $0x3  }
.LBB1_4:
.Ltmp6:
0x80: {  	(pc) =	sbr.rel @p1 .LBB1_13-.Ltmp6, $1  }
0x81: {  	_ =	sdelay $0x3  }
0x82: {  	s0 =	sshll.u32 s29, $0xF  }
0x83: {  	s0 =	sshra.s32 s0, $0x2  }
0x84: {  	s30 =	sadd.s32 s0, s25  }
0x85: {  	s0 =	sadd.s32 $0x2000, s30  }
.Ltmp7:
0x86: {  	v1 =	vmov s0;
	(pc) =	sbr.rel .LBB1_6-.Ltmp7, $3  }
0x87: {  	v0 =	vmov s30;
	_ =	sdelay $0x1  }
0x88: {  	s31 =	simm.s32 $0x0  }
0x89: {  	s1 =	simm.s32 $0x0;
	s6 =	simm.s32 $0x0;
	s0 =	simm.s32 $0x0  }
.LBB1_12:
0x8a: {  	s6 =	sadd.s32 $0x2, s6  }
0x8b: {  	p4 =	slt.s32 s6, s22  }
.Ltmp8:
0x8c: {  	_ = 	snop;
	(pc) =	sbr.rel @!p4 .LBB1_13-.Ltmp8, $2  }
0x8d: {  	_ =	sdelay $0x2  }
0x8e: {  	s1 =	sadd.s32 $0x4, s1;
	s0 =	sadd.s32 $0x200, s0;
	s31 =	sadd.s32 $0x100, s31  }
.LBB1_6:
.Ltmp9:
0x8f: {  	(pc) =	sbr.rel @p2 .LBB1_9-.Ltmp9, $3  }
0x90: {  	_ =	sdelay $0x1  }
0x91: {  	s2 =	sshrl.u32 s1, $0x1  }
0x92: {  	s3 =	sand.u32 $0x3E, s2  }
0x93: {  	s2 =	sand.u32 $0x3800, s0;
	s5 =	sand.u32 $0x300, s31  }
0x94: {  	s2 =	sor.u32 s5, s2  }
0x95: {  	s5 =	sshrl.u32 s2, $0x1  }
0x96: {  	s17 =	sand.u32 $0x1F80, s5  }
0x97: {  	v3 =	vld.idx.msk [tilespmem:v1+s17+$0x20 ss:$0x1], $0xffff  }
0x98: {  	v2 =	vld.idx.msk [tilespmem:v0+s17+$0x20 ss:$0x1], $0xffff  }
0x99: {  	v18 =	vld.idx.msk [tilespmem:v1+s17+$0x70 ss:$0x1], $0xffff  }
0x9a: {  	v5 =	vld.idx.msk [tilespmem:v1+s17+$0x0 ss:$0x1], $0xffff  }
0x9b: {  	v4 =	vld.idx.msk [tilespmem:v1+s17+$0x50 ss:$0x1], $0xffff  }
0x9c: {  	v12 =	vld.idx.msk [tilespmem:v0+s17+$0x0 ss:$0x1], $0xffff  }
0x9d: {  	v7 =	vld.idx.msk [tilespmem:v0+s17+$0x30 ss:$0x1], $0xffff  }
0x9e: {  	v11 =	vld.idx.msk [tilespmem:v0+s17+$0x10 ss:$0x1], $0xffff  }
0x9f: {  	p5 =	sgt.s32 s24, $0x80;
	v14 =	vld.idx.msk [tilespmem:v1+s17+$0x10 ss:$0x1], $0xffff  }
.Ltmp10:
0xa0: {  	v10 =	vld.idx.msk [tilespmem:v0+s17+$0x70 ss:$0x1], $0xffff;
	(pc) =	sbr.rel @!p5 .LBB1_8-.Ltmp10, $4  }
0xa1: {  	v19 =	vld.idx.msk [tilespmem:v1+s17+$0x30 ss:$0x1], $0xffff;
	v8 =	vunpack.i.l.s16.s32 v18  }
0xa2: {  	v6 =	vld.idx.msk [tilespmem:v0+s17+$0x40 ss:$0x1], $0xffff;
	v9 =	vunpack.i.u.s16.s32 v2;
	v13 =	vunpack.i.l.s16.s32 v2;
	v15 =	vunpack.i.l.s16.s32 v3  }
0xa3: {  	v16 =	vld.idx.msk [tilespmem:v0+s17+$0x60 ss:$0x1], $0xffff;
	v2 =	vunpack.i.u.s16.s32 v4;
	v3 =	vunpack.i.u.s16.s32 v3;
	v20 =	vpack.i.b32.b16 v15, v13  }
0xa4: {  	s4 =	sadd.s32 s3, s26;
	p4 =	por $0x0, $0x0;
	s5 =	sadd.s32 $0x400, s2;
	v13 =	vld.idx.msk [tilespmem:v1+s17+$0x40 ss:$0x1], $0xffff;
	v15 =	vpack.i.b32.b16 v3, v9;
	v3 =	vunpack.i.u.s16.s32 v7;
	v9 =	vunpack.i.l.s16.s32 v7  }
0xa5: {  	_ =	sdelay $0x3  }
0xa6: {  	s2 =	sshrl.u32 s5, $0x1;
	v7 =	vunpack.i.u.s16.s32 v11;
	v24 =	vunpack.i.l.s16.s32 v11;
	v11 =	vld.idx.msk [tilespmem:v1+s17+$0x60 ss:$0x1], $0xffff  }
0xa7: {  	v17 =	vunpack.i.u.s16.s32 v12;
	v21 =	vunpack.i.u.s16.s32 v5;
	v22 =	vld.idx.msk [tilespmem:v0+s17+$0x50 ss:$0x1], $0xffff;
	v23 =	vunpack.i.l.s16.s32 v4;
	s2 =	sand.u32 $0x1F80, s2  }
0xa8: {  	v4 =	vunpack.i.l.s16.s32 v12;
	v5 =	vunpack.i.l.s16.s32 v5;
	v28 =	vunpack.i.u.s16.s32 v10;
	v25 =	vld.idx.msk [tilespmem:v1+s2+$0x20 ss:$0x1], $0xffff  }
0xa9: {  	[tilespmem:s4+$0x820 ss:$0x41] =	vst.msk $0xffff, v20;
	v10 =	vunpack.i.l.s16.s32 v10;
	v18 =	vunpack.i.u.s16.s32 v18;
	v4 =	vpack.i.b32.b16 v5, v4;
	v27 =	vld.idx.msk [tilespmem:v0+s2+$0x20 ss:$0x1], $0xffff  }
0xaa: {  	v26 =	vunpack.i.l.s16.s32 v19;
	v12 =	vpack.i.b32.b16 v21, v17;
	v8 =	vpack.i.b32.b16 v8, v10;
	[tilespmem:s4+$0x821 ss:$0x41] =	vst.msk $0xffff, v15;
	v17 =	vld.idx.msk [tilespmem:v1+s2+$0x70 ss:$0x1], $0xffff  }
0xab: {  	v20 =	vunpack.i.u.s16.s32 v6;
	[tilespmem:s4+$0x0 ss:$0x41] =	vst.msk $0xffff, v4;
	v5 =	vld.idx.msk [tilespmem:v1+s2+$0x0 ss:$0x1], $0xffff;
	v6 =	vunpack.i.l.s16.s32 v6;
	v9 =	vpack.i.b32.b16 v26, v9  }
0xac: {  	[tilespmem:s4+$0x1C70 ss:$0x41] =	vst.msk $0xffff, v8;
	v30 =	vld.idx.msk [tilespmem:v0+s2+$0x30 ss:$0x1], $0xffff;
	v26 =	vunpack.i.l.s16.s32 v14;
	v10 =	vunpack.i.l.s16.s32 v16;
	v4 =	vunpack.i.u.s16.s32 v13  }
0xad: {  	[tilespmem:s4+$0x1 ss:$0x41] =	vst.msk $0xffff, v12;
	v12 =	vld.idx.msk [tilespmem:v0+s2+$0x0 ss:$0x1], $0xffff;
	v24 =	vpack.i.b32.b16 v26, v24;
	v13 =	vunpack.i.l.s16.s32 v13;
	v29 =	vpack.i.b32.b16 v4, v20  }
0xae: {  	[tilespmem:s4+$0xC30 ss:$0x41] =	vst.msk $0xffff, v9;
	v4 =	vld.idx.msk [tilespmem:v1+s2+$0x50 ss:$0x1], $0xffff;
	v15 =	vunpack.i.u.s16.s32 v11;
	v11 =	vunpack.i.l.s16.s32 v11;
	v6 =	vpack.i.b32.b16 v13, v6  }
0xaf: {  	v8 =	vunpack.i.l.s16.s32 v22;
	v13 =	vunpack.i.u.s16.s32 v22;
	v22 =	vld.idx.msk [tilespmem:v1+s2+$0x10 ss:$0x1], $0xffff;
	v10 =	vpack.i.b32.b16 v11, v10;
	[tilespmem:s4+$0x1040 ss:$0x41] =	vst.msk $0xffff, v6  }
0xb0: {  	p5 =	sgt.s32 s24, $0x100;
	v16 =	vunpack.i.u.s16.s32 v16;
	v11 =	vld.idx.msk [tilespmem:v0+s2+$0x10 ss:$0x1], $0xffff;
	v21 =	vpack.i.b32.b16 v2, v13;
	v6 =	vpack.i.b32.b16 v18, v28;
	[tilespmem:s4+$0x1860 ss:$0x41] =	vst.msk $0xffff, v10  }
.Ltmp11:
0xb1: {  	v18 =	vld.idx.msk [tilespmem:v1+s2+$0x30 ss:$0x1], $0xffff;
	v10 =	vpack.i.b32.b16 v15, v16;
	v15 =	vpack.i.b32.b16 v23, v8;
	v8 =	vunpack.i.l.s16.s32 v17;
	[tilespmem:s4+$0x1C71 ss:$0x41] =	vst.msk $0xffff, v6;
	(pc) =	sbr.rel @!p5 .LBB1_18-.Ltmp11, $4  }
0xb2: {  	v13 =	vunpack.i.u.s16.s32 v27;
	v9 =	vunpack.i.l.s16.s32 v27;
	v16 =	vunpack.i.u.s16.s32 v19;
	v6 =	vld.idx.msk [tilespmem:v0+s2+$0x40 ss:$0x1], $0xffff;
	[tilespmem:s4+$0x1041 ss:$0x41] =	vst.msk $0xffff, v29  }
0xb3: {  	v19 =	vunpack.i.u.s16.s32 v25;
	v20 =	vunpack.i.l.s16.s32 v25;
	[tilespmem:s4+$0x1861 ss:$0x41] =	vst.msk $0xffff, v10;
	v10 =	vld.idx.msk [tilespmem:v0+s2+$0x70 ss:$0x1], $0xffff;
	v3 =	vpack.i.b32.b16 v16, v3  }
0xb4: {  	s18 =	sadd.s32 $0x2080, s4;
	s20 =	simm.s32 $0x100;
	v23 =	vunpack.i.u.s16.s32 v14;
	[tilespmem:s4+$0x1450 ss:$0x41] =	vst.msk $0xffff, v15;
	v20 =	vpack.i.b32.b16 v20, v9;
	v15 =	vpack.i.b32.b16 v19, v13;
	v13 =	vld.idx.msk [tilespmem:v1+s2+$0x40 ss:$0x1], $0xffff  }
0xb5: {  	s17 =	sadd.s32 $0x400, s5;
	p4 =	por $0x1, $0x1;
	s5 =	smov.u32 s18;
	v9 =	vunpack.i.l.s16.s32 v30;
	v16 =	vld.idx.msk [tilespmem:v0+s2+$0x60 ss:$0x1], $0xffff;
	[tilespmem:s4+$0xC31 ss:$0x41] =	vst.msk $0xffff, v3;
	v3 =	vunpack.i.u.s16.s32 v30;
	v2 =	vunpack.i.u.s16.s32 v4  }
.LBB1_19:
0xb6: {  	s19 =	sshrl.u32 s17, $0x1;
	s20 =	sadd.s32 $0x80, s20;
	v14 =	vunpack.i.l.s16.s32 v11;
	v19 =	vld.idx.msk [tilespmem:v1+s2+$0x60 ss:$0x1], $0xffff;
	s5 =	sadd.s32 $0x2080, s5;
	[tilespmem:s4+$0x410 ss:$0x41] =	vst.msk $0xffff, v24;
	v23 =	vpack.i.b32.b16 v23, v7;
	v7 =	vunpack.i.u.s16.s32 v11;
	v24 =	vmovc v22  }
0xb7: {  	v11 =	vunpack.i.u.s16.s32 v12;
	v22 =	vunpack.i.u.s16.s32 v5;
	v26 =	vunpack.i.l.s16.s32 v4;
	p5 =	slt.s32 s20, s24;
	v25 =	vld.idx.msk [tilespmem:v0+s2+$0x50 ss:$0x1], $0xffff;
	s2 =	sand.u32 $0x1F80, s19;
	[tilespmem:s4+$0x1451 ss:$0x41] =	vst.msk $0xffff, v21  }
0xb8: {  	v4 =	vunpack.i.l.s16.s32 v12;
	v5 =	vunpack.i.l.s16.s32 v5;
	v21 =	vunpack.i.l.s16.s32 v18;
	v27 =	vld.idx.msk [tilespmem:v1+s2+$0x20 ss:$0x1], $0xffff;
	[tilespmem:s4+$0x411 ss:$0x41] =	vst.msk $0xffff, v23;
	s4 =	smov.u32 s18;
	s18 =	smov.u32 s5  }
0xb9: {  	v4 =	vpack.i.b32.b16 v5, v4;
	v11 =	vpack.i.b32.b16 v22, v11;
	v12 =	vunpack.i.u.s16.s32 v6;
	v23 =	vld.idx.msk [tilespmem:v0+s2+$0x20 ss:$0x1], $0xffff;
	[tilespmem:s4+$0x820 ss:$0x41] =	vst.msk $0xffff, v20  }
0xba: {  	v28 =	vunpack.i.u.s16.s32 v10;
	v10 =	vunpack.i.l.s16.s32 v10;
	v20 =	vld.idx.msk [tilespmem:v1+s2+$0x70 ss:$0x1], $0xffff;
	[tilespmem:s4+$0x0 ss:$0x41] =	vst.msk $0xffff, v4;
	v4 =	vunpack.i.u.s16.s32 v13  }
0xbb: {  	v17 =	vunpack.i.u.s16.s32 v17;
	v8 =	vpack.i.b32.b16 v8, v10;
	v5 =	vld.idx.msk [tilespmem:v1+s2+$0x0 ss:$0x1], $0xffff;
	[tilespmem:s4+$0x1 ss:$0x41] =	vst.msk $0xffff, v11;
	v29 =	vpack.i.b32.b16 v4, v12  }
0xbc: {  	v10 =	vunpack.i.l.s16.s32 v16;
	v11 =	vunpack.i.u.s16.s32 v19;
	v4 =	vld.idx.msk [tilespmem:v1+s2+$0x50 ss:$0x1], $0xffff;
	[tilespmem:s4+$0x821 ss:$0x41] =	vst.msk $0xffff, v15;
	v15 =	vunpack.i.l.s16.s32 v19  }
0xbd: {  	v13 =	vunpack.i.l.s16.s32 v13;
	v16 =	vunpack.i.u.s16.s32 v16;
	v12 =	vld.idx.msk [tilespmem:v0+s2+$0x0 ss:$0x1], $0xffff;
	v10 =	vpack.i.b32.b16 v15, v10;
	[tilespmem:s4+$0x1C70 ss:$0x41] =	vst.msk $0xffff, v8  }
0xbe: {  	v6 =	vunpack.i.l.s16.s32 v6;
	v8 =	vunpack.i.l.s16.s32 v25;
	v19 =	vld.idx.msk [tilespmem:v0+s2+$0x30 ss:$0x1], $0xffff;
	[tilespmem:s4+$0x1860 ss:$0x41] =	vst.msk $0xffff, v10;
	v10 =	vpack.i.b32.b16 v11, v16  }
0xbf: {  	v6 =	vpack.i.b32.b16 v13, v6;
	v13 =	vunpack.i.u.s16.s32 v25;
	v15 =	vpack.i.b32.b16 v26, v8;
	v11 =	vld.idx.msk [tilespmem:v0+s2+$0x10 ss:$0x1], $0xffff;
	[tilespmem:s4+$0x1861 ss:$0x41] =	vst.msk $0xffff, v10  }
0xc0: {  	v9 =	vpack.i.b32.b16 v21, v9;
	v21 =	vpack.i.b32.b16 v2, v13;
	v8 =	vunpack.i.l.s16.s32 v20;
	v22 =	vld.idx.msk [tilespmem:v1+s2+$0x10 ss:$0x1], $0xffff;
	[tilespmem:s4+$0x1040 ss:$0x41] =	vst.msk $0xffff, v6  }
.Ltmp12:
0xc1: {  	v25 =	vunpack.i.l.s16.s32 v24;
	v13 =	vunpack.i.u.s16.s32 v23;
	v6 =	vpack.i.b32.b16 v17, v28;
	v17 =	vmovc v20;
	v10 =	vld.idx.msk [tilespmem:v0+s2+$0x70 ss:$0x1], $0xffff;
	[tilespmem:s4+$0xC30 ss:$0x41] =	vst.msk $0xffff, v9;
	(pc) =	sbr.rel @p5 .LBB1_19-.Ltmp12, $4  }
0xc2: {  	v16 =	vunpack.i.u.s16.s32 v18;
	v9 =	vunpack.i.l.s16.s32 v23;
	v2 =	vunpack.i.u.s16.s32 v4;
	v18 =	vld.idx.msk [tilespmem:v1+s2+$0x30 ss:$0x1], $0xffff;
	[tilespmem:s4+$0x1C71 ss:$0x41] =	vst.msk $0xffff, v6  }
0xc3: {  	v3 =	vpack.i.b32.b16 v16, v3;
	v20 =	vunpack.i.l.s16.s32 v27;
	v23 =	vunpack.i.u.s16.s32 v27;
	v6 =	vld.idx.msk [tilespmem:v0+s2+$0x40 ss:$0x1], $0xffff;
	[tilespmem:s4+$0x1450 ss:$0x41] =	vst.msk $0xffff, v15  }
0xc4: {  	v20 =	vpack.i.b32.b16 v20, v9;
	v15 =	vpack.i.b32.b16 v23, v13;
	v23 =	vunpack.i.u.s16.s32 v24;
	v13 =	vld.idx.msk [tilespmem:v1+s2+$0x40 ss:$0x1], $0xffff;
	[tilespmem:s4+$0xC31 ss:$0x41] =	vst.msk $0xffff, v3  }
0xc5: {  	s17 =	sadd.s32 $0x400, s17;
	v9 =	vunpack.i.l.s16.s32 v19;
	v24 =	vpack.i.b32.b16 v25, v14;
	v3 =	vunpack.i.u.s16.s32 v19;
	v16 =	vld.idx.msk [tilespmem:v0+s2+$0x60 ss:$0x1], $0xffff;
	[tilespmem:s4+$0x1041 ss:$0x41] =	vst.msk $0xffff, v29  }
0xc6: {  	_ = 	snop  }
0xc7: {  	s5 =	smov.u32 s4;
	s17 =	smov.u32 s2;
	v14 =	vmov v22;
	s4 =	smov.u32 s18;
	v19 =	vmov v18;
	v18 =	vmov v17  }
.LBB1_21:
0xc8: {  	[tilespmem:s5+$0x410 ss:$0x41] =	vst.msk @p4 $0xffff, v24  }
0xc9: {  	[tilespmem:s5+$0x1451 ss:$0x41] =	vst.msk @p4 $0xffff, v21  }
0xca: {  	v7 =	vpack.i.b32.b16 @p4 v23, v7;
	[tilespmem:s4+$0x820 ss:$0x41] =	vst.msk $0xffff, v20  }
0xcb: {  	v41 =	vunpack.i.l.s16.s32 v12;
	v22 =	vunpack.i.l.s16.s32 v5;
	[tilespmem:s5+$0x411 ss:$0x41] =	vst.msk @p4 $0xffff, v7  }
0xcc: {  	v45 =	vunpack.i.l.s16.s32 v10;
	v44 =	vpack.i.b32.b16 v22, v41;
	[tilespmem:s4+$0x821 ss:$0x41] =	vst.msk $0xffff, v15  }
0xcd: {  	v17 =	vld.idx.msk [tilespmem:v1+s17+$0x60 ss:$0x1], $0xffff;
	v54 =	vunpack.i.l.s16.s32 v19;
	v7 =	vpack.i.b32.b16 v8, v45;
	[tilespmem:s4+$0x0 ss:$0x41] =	vst.msk $0xffff, v44  }
0xce: {  	v42 =	vunpack.i.u.s16.s32 v12;
	v43 =	vunpack.i.u.s16.s32 v5;
	v46 =	vld.idx.msk [tilespmem:v0+s17+$0x50 ss:$0x1], $0xffff;
	v9 =	vpack.i.b32.b16 v54, v9;
	[tilespmem:s4+$0x1C70 ss:$0x41] =	vst.msk $0xffff, v7  }
0xcf: {  	v52 =	vunpack.i.l.s16.s32 v6;
	v5 =	vpack.i.b32.b16 v43, v42;
	v51 =	vunpack.i.l.s16.s32 v13;
	[tilespmem:s4+$0xC30 ss:$0x41] =	vst.msk $0xffff, v9  }
0xd0: {  	v58 =	vunpack.i.u.s16.s32 v19;
	v7 =	vpack.i.b32.b16 v51, v52;
	[tilespmem:s4+$0x1 ss:$0x41] =	vst.msk $0xffff, v5  }
0xd1: {  	v59 =	vunpack.i.u.s16.s32 v6;
	v60 =	vunpack.i.u.s16.s32 v13;
	v3 =	vpack.i.b32.b16 v58, v3;
	[tilespmem:s4+$0x1040 ss:$0x41] =	vst.msk $0xffff, v7  }
0xd2: {  	v47 =	vunpack.i.l.s16.s32 v16;
	v6 =	vpack.i.b32.b16 v60, v59;
	[tilespmem:s4+$0xC31 ss:$0x41] =	vst.msk $0xffff, v3;
	v48 =	vunpack.i.l.s16.s32 v17  }
0xd3: {  	v4 =	vunpack.i.l.s16.s32 v4;
	[tilespmem:s4+$0x1041 ss:$0x41] =	vst.msk $0xffff, v6;
	v57 =	vunpack.i.l.s16.s32 v46;
	v8 =	vpack.i.b32.b16 v48, v47  }
0xd4: {  	v50 =	vunpack.i.u.s16.s32 v16;
	v49 =	vunpack.i.u.s16.s32 v17;
	v4 =	vpack.i.b32.b16 v4, v57;
	[tilespmem:s4+$0x1860 ss:$0x41] =	vst.msk $0xffff, v8  }
0xd5: {  	v55 =	vunpack.i.u.s16.s32 v10;
	v56 =	vunpack.i.u.s16.s32 v18;
	v53 =	vpack.i.b32.b16 v49, v50;
	[tilespmem:s4+$0x1450 ss:$0x41] =	vst.msk $0xffff, v4  }
0xd6: {  	v61 =	vunpack.i.l.s16.s32 v11;
	v62 =	vunpack.i.l.s16.s32 v14;
	v8 =	vpack.i.b32.b16 v56, v55;
	[tilespmem:s4+$0x1861 ss:$0x41] =	vst.msk $0xffff, v53  }
0xd7: {  	v3 =	vunpack.i.u.s16.s32 v46;
	v4 =	vpack.i.b32.b16 v62, v61;
	[tilespmem:s4+$0x1C71 ss:$0x41] =	vst.msk $0xffff, v8  }
0xd8: {  	v63 =	vunpack.i.u.s16.s32 v11;
	v2 =	vpack.i.b32.b16 v2, v3;
	v3 =	vunpack.i.u.s16.s32 v14;
	[tilespmem:s4+$0x410 ss:$0x41] =	vst.msk $0xffff, v4  }
0xd9: {  	v3 =	vpack.i.b32.b16 v3, v63;
	[tilespmem:s4+$0x1451 ss:$0x41] =	vst.msk $0xffff, v2  }
0xda: {  	[tilespmem:s4+$0x411 ss:$0x41] =	vst.msk $0xffff, v3  }
.LBB1_9:
.Ltmp13:
0xdb: {  	(pc) =	sbr.rel @p3 .LBB1_12-.Ltmp13, $1  }
0xdc: {  	_ =	sdelay $0x3  }
0xdd: {  	s2 =	sshll.u32 s6, $0x8;
	s4 =	sshll.u32 s6, $0x7  }
0xde: {  	s5 =	sand.u32 $0x3800, s2;
	s4 =	sand.u32 $0x300, s4;
	s2 =	sadd.s32 s3, s28  }
0xdf: {  	s3 =	sor.u32 s4, s5;
	s4 =	smov.u32 s27;
	s5 =	smov.u32 s24  }
.LBB1_11:
0xe0: {  	s17 =	sand.u32 $0x3C00, s4  }
0xe1: {  	s17 =	sadd.s32 s3, s17  }
0xe2: {  	s17 =	sshrl.u32 s17, $0x1  }
0xe3: {  	s17 =	sand.u32 $0x1F80, s17  }
0xe4: {  	s18 =	sand.u32 $0x70, s5;
	s17 =	sadd.s32 s17, s30  }
0xe5: {  	s17 =	sadd.s32 s18, s17  }
0xe6: {  	v2 =	vld [tilespmem:s17+$0x0]  }
0xe7: {  	v3 =	vld [tilespmem:s17+$0x2000];
	_ =	sdelay $0x1  }
0xe8: {  	s5 =	sadd.s32 $0x10, s5  }
0xe9: {  	p4 =	slt.s32 s5, s23  }
.Ltmp14:
0xea: {  	_ = 	snop;
	(pc) =	sbr.rel @p4 .LBB1_11-.Ltmp14, $4  }
0xeb: {  	v4 =	vunpack.i.l.s16.s32 v2;
	v5 =	vunpack.i.l.s16.s32 v3  }
0xec: {  	v2 =	vunpack.i.u.s16.s32 v2;
	v3 =	vunpack.i.u.s16.s32 v3;
	v4 =	vpack.i.b32.b16 v5, v4  }
0xed: {  	v2 =	vpack.i.b32.b16 v3, v2;
	[tilespmem:s2+$0x0 ss:$0x41] =	vst.msk $0xffff, v4  }
0xee: {  	s4 =	sadd.s32 $0x80, s4;
	[tilespmem:s2+$0x1 ss:$0x41] =	vst.msk $0xffff, v2;
	s2 =	sadd.s32 $0x410, s2  }
.Ltmp15:
0xef: {  	_ = 	snop;
	(pc) =	sbr.rel .LBB1_12-.Ltmp15, $1  }
0xf0: {  	_ =	sdelay $0x3  }
.LBB1_8:
.Ltmp16:
0xf1: {  	(pc) =	sbr.rel .LBB1_21-.Ltmp16, $2  }
0xf2: {  	_ =	sdelay $0x2  }
0xf3: {  	_ = 	snop  }
.LBB1_18:
.Ltmp17:
0xf4: {  	(pc) =	sbr.rel .LBB1_21-.Ltmp17, $2  }
0xf5: {  	_ =	sdelay $0x2  }
0xf6: {  	s5 =	smov.u32 s4;
	s17 =	smov.u32 s2;
	v14 =	vmov v22;
	v19 =	vmov v18;
	s4 =	smov.u32 s18;
	v18 =	vmov v17  }
.LBB1_16:
0xf7: {  	_ =	sfence.sel $0x180000  }
0xf8: {  	s0 =	simm.s32 $0x1;
	[bflag:$0x0] =	sbarrier.arrive $0xFFFF  }
0xf9: {  	s30 =	simm.s32 $0x2;
	[sflag:s0] =	ssyncpa.u1 $0x1  }
0xfa: {  	[sflag:s30] =	ssyncpa.u1 $0x1  }
0xfb: {  	_ =	strace $0x90000047  }
0xfc: {  	s31 =	stileid.u32;
	[bflag:$0x2] =	sbarrier.arrive $0xFFFF  }
0xfd: {  	p0 =	sne.s32 s31, $0x0;
	s0 =	rddreg [dreg:$0x1]  }
0xfe: {  	s0 =	sadd.s32 @!p0 $0x100000, s0  }
0xff: {  	[sflag:s0] =	ssyncadd.tile.s32 @!p0 $0x1;
	_ =	shalt  }
.Lfunc_end1:
_tile_overlayer_lowered:
.L_overlay_start_2:
0x100: {  	(tag) =	ssettag $0x2  }
0x101: {  	s0 =	rddreg [dreg:$0x0];
	s2 =	stileid.u32  }
0x102: {  	s1 =	rddreg [dreg:$0x1];
	p0 =	sne.s32 s2, $0x0  }
0x103: {  	s3 =	rddreg [dreg:$0x2];
	[bflag:$0x3] =	sbarrier.arrive $0xFFFF;
	s2 =	simm.s32 @!p0 $0x1C01  }
0x104: {  	[timem:s3], [sflag:s2] =	dma.local @!p0 [hbm:s0], s1  }
0x105: {  	s0 =	simm.s32 @!p0 $0x1  }
0x106: {  	_ =	swait.ge @!p0 [sflag:s0], s1  }
0x107: {  	s1 =	ssub.s32 @!p0 $0x0, s1;
	[sflag:s0] =	ssyncset.done @!p0 $0x0  }
0x108: {  	[sflag:s0] =	ssyncadd.s32 @!p0 s1  }
0x109: {  	[bflag:$0x3] =	sbarrier.arrive $0xFFFF  }
0x10a: {  	_ =	shalt  }

</sc_bundles>
